<compile_context>
chip_gen: v7x
topology: tpu7x:2x2x1
jax: 0.10.2.dev20260603
libtpu: 0.0.44.dev20260713+nightly
codegen_flags: <defaults>
</compile_context>

<pallas_src>
import functools

import jax
import jax.numpy as jnp
from jax import lax
from jax.experimental import pallas as pl
from jax.experimental.pallas import tpu as pltpu
from jax.experimental.pallas import tpu_sc as plsc

_NC = 2
_NS = 16
_LANES = 16


def _make_sc_segsum(n, chunk, d, num_seg):
  nw = _NC * _NS
  num_chunks = n // chunk
  chunks_per_tile = (num_chunks + nw - 1) // nw
  mesh = plsc.VectorSubcoreMesh(core_axis_name="c", subcore_axis_name="s",
                                num_cores=_NC, num_subcores=_NS)

  @functools.partial(
      pl.kernel,
      out_type=[
          jax.ShapeDtypeStruct((_NC, num_seg, d), jnp.float32),
          jax.ShapeDtypeStruct((_NC, num_seg, d), jnp.float32),
      ],
      mesh=mesh,
      scratch_types=[
          pltpu.VMEM((2, chunk, d), jnp.float32),
          pltpu.VMEM((chunks_per_tile, chunk), jnp.int32),
          pltpu.VMEM((chunk, d), jnp.float32),
          pltpu.VMEM((num_seg, d), jnp.float32),
          pltpu.VMEM_SHARED((num_seg, d), jnp.float32),
          pltpu.VMEM_SHARED((num_seg, d), jnp.float32),
          pltpu.SemaphoreType.DMA,
          pltpu.SemaphoreType.DMA,
          pltpu.SemaphoreType.DMA,
          pltpu.SemaphoreType.DMA,
          pltpu.SemaphoreType.DMA,
          pltpu.SemaphoreType.DMA,
      ],
  )
  def sc_segsum(z_hbm, b_hbm, sums_out, cnts_out, rows_v, idx_v, ones_v,
                zeros_v, acc_sh, cnt_sh, sg0, sg1, ss0, ss1, so0, so1):
    cid = lax.axis_index("c")
    sid = lax.axis_index("s")
    wid = cid * _NS + sid
    sg = (sg0, sg1)
    ss = (ss0, ss1)
    so = (so0, so1)

    def valid(j):
      return (j * nw + wid) < num_chunks

    def zsrc(j):
      return z_hbm.at[pl.ds((j * nw + wid) * chunk, chunk), :]

    def bsrc(j):
      return b_hbm.at[pl.ds((j * nw + wid) * chunk, chunk)]

    ones = jnp.ones((_LANES,), jnp.float32)

    def fill_ones(i, _):
      for k in range(d // _LANES):
        ones_v[i, pl.ds(k * _LANES, _LANES)] = ones
      return 0

    lax.fori_loop(0, chunk, fill_ones, 0)

    @pl.when(valid(0))
    def _prefetch0():
      pltpu.async_copy(zsrc(0), rows_v.at[0], sg[0])
      pltpu.async_copy(bsrc(0), idx_v.at[0], sg[0])

    @pl.when(sid == 0)
    def _init():
      zeros = jnp.zeros((_LANES,), jnp.float32)

      def fill_zeros(i, _):
        for k in range(d // _LANES):
          zeros_v[i, pl.ds(k * _LANES, _LANES)] = zeros
        return 0

      lax.fori_loop(0, num_seg, fill_zeros, 0)
      pltpu.sync_copy(zeros_v, acc_sh)
      pltpu.sync_copy(zeros_v, cnt_sh)

    plsc.subcore_barrier()

    for j in range(chunks_per_tile):
      buf = j & 1

      @pl.when(valid(j))
      def _scatter_j(j=j, buf=buf):
        pltpu.make_async_copy(zsrc(j), rows_v.at[buf], sg[buf]).wait()
        pltpu.make_async_copy(bsrc(j), idx_v.at[j], sg[buf]).wait()
        pltpu.async_copy(rows_v.at[buf], acc_sh.at[idx_v.at[j]], ss[buf],
                         add=True)
        pltpu.async_copy(ones_v, cnt_sh.at[idx_v.at[j]], so[buf], add=True)

      if j + 1 < chunks_per_tile:

        @pl.when(valid(j + 1))
        def _prefetch_next(j=j):
          nbuf = (j + 1) & 1
          if j - 1 >= 0:
            pltpu.make_async_copy(rows_v.at[nbuf],
                                  acc_sh.at[idx_v.at[j - 1]],
                                  ss[nbuf]).wait()
            pltpu.make_async_copy(ones_v, cnt_sh.at[idx_v.at[j - 1]],
                                  so[nbuf]).wait()
          pltpu.async_copy(zsrc(j + 1), rows_v.at[nbuf], sg[nbuf])
          pltpu.async_copy(bsrc(j + 1), idx_v.at[j + 1], sg[nbuf])

    for j in range(max(chunks_per_tile - 2, 0), chunks_per_tile):
      buf = j & 1

      @pl.when(valid(j))
      def _drain_j(j=j, buf=buf):
        pltpu.make_async_copy(rows_v.at[buf], acc_sh.at[idx_v.at[j]],
                              ss[buf]).wait()
        pltpu.make_async_copy(ones_v, cnt_sh.at[idx_v.at[j]],
                              so[buf]).wait()

    plsc.subcore_barrier()

    @pl.when(sid == 0)
    def _writeout():
      pltpu.sync_copy(acc_sh, sums_out.at[cid])
      pltpu.sync_copy(cnt_sh, cnts_out.at[cid])

  return sc_segsum


def _gru_body(z_ref, x_ref, h_ref, wp_ref, bp_ref,
              wxz_ref, bxz_ref, whz_ref, bhz_ref,
              wxr_ref, bxr_ref, whr_ref, bhr_ref,
              wxh_ref, bxh_ref, whh_ref, bhh_ref, out_ref,
              wx_s, whzr_s):
  f32 = jnp.float32
  db = whh_ref.shape[0]

  def dot(a, w):
    return jnp.dot(a, w, preferred_element_type=f32)

  @pl.when(pl.program_id(0) == 0)
  def _stage_weights():
    wx_s[:, 0:db] = wxz_ref[...]
    wx_s[:, db:2 * db] = wxr_ref[...]
    wx_s[:, 2 * db:3 * db] = wxh_ref[...]
    whzr_s[:, 0:db] = whz_ref[...]
    whzr_s[:, db:2 * db] = whr_ref[...]

  z = z_ref[...]
  h = h_ref[...]
  xp = jnp.maximum(dot(x_ref[...], wp_ref[...]) + bp_ref[...][None, :], 0.0)
  gin = jnp.concatenate([z, xp], axis=1)
  a = dot(gin, wx_s[...])
  ah = dot(h, whzr_s[...])
  zg = jax.nn.sigmoid(a[:, :db] + ah[:, :db]
                      + (bxz_ref[...] + bhz_ref[...])[None, :])
  rg = jax.nn.sigmoid(a[:, db:2 * db] + ah[:, db:2 * db]
                      + (bxr_ref[...] + bhr_ref[...])[None, :])
  ht = jnp.tanh(a[:, 2 * db:] + dot(rg * h, whh_ref[...])
                + (bxh_ref[...] + bhh_ref[...])[None, :])
  out_ref[...] = zg * h + (1.0 - zg) * ht


def _fused_body(s_ref, c_ref, u_ref, wg_ref, bg_ref, out_ref):
  s = s_ref[0] + s_ref[1]
  cnt = c_ref[0, :, 0:1] + c_ref[1, :, 0:1]
  ge = s / jnp.maximum(cnt, 1.0)
  glob = jnp.maximum(
      jnp.dot(u_ref[...], wg_ref[...], preferred_element_type=jnp.float32)
      + bg_ref[...][None, :], 0.0)
  out_ref[...] = jnp.concatenate([ge, glob], axis=1)


def kernel(z, u, x, edge_index, batch, batch_size, prev_h, Wp, bp, Wg, bg,
           W_xz, b_xz, W_hz, b_hz, W_xr, b_xr, W_hr, b_hr, W_xh, b_xh,
           W_hh, b_hh):
  n, db = z.shape
  df = x.shape[1]
  dp = Wp.shape[1]
  b = u.shape[0]
  gin_d = db + dp

  chunk = 1
  for c in range(min(128, n), 0, -1):
    if n % c == 0 and c % 8 == 0:
      chunk = c
      break
  batch = batch.astype(jnp.int32)
  sums, cnts = _make_sc_segsum(n, chunk, db, b)(z, batch)

  blk = n
  for c in range(min(5000, n), 0, -1):
    if n % c == 0 and c % 8 == 0:
      blk = c
      break
  grid = (n // blk,)
  row_spec = lambda width: pl.BlockSpec((blk, width), lambda i: (i, 0))
  full = lambda s: pl.BlockSpec(s, lambda i: (0,) * len(s))
  h_new = pl.pallas_call(
      _gru_body,
      grid=grid,
      in_specs=[
          row_spec(db), row_spec(df), row_spec(db),
          full((df, dp)), full((dp,)),
          full((gin_d, db)), full((db,)), full((db, db)), full((db,)),
          full((gin_d, db)), full((db,)), full((db, db)), full((db,)),
          full((gin_d, db)), full((db,)), full((db, db)), full((db,)),
      ],
      out_specs=row_spec(db),
      out_shape=jax.ShapeDtypeStruct((n, db), jnp.float32),
      scratch_shapes=[
          pltpu.VMEM((gin_d, 3 * db), jnp.float32),
          pltpu.VMEM((db, 2 * db), jnp.float32),
      ],
  )(z, x, prev_h, Wp, bp,
    W_xz, b_xz, W_hz, b_hz,
    W_xr, b_xr, W_hr, b_hr,
    W_xh, b_xh, W_hh, b_hh)

  go = Wg.shape[1]
  fused = pl.pallas_call(
      _fused_body,
      out_shape=jax.ShapeDtypeStruct((b, db + go), jnp.float32),
  )(sums, cnts, u, Wg, bg)

  return (fused, h_new)

# --- scband reference (transcript-rebuilt; emitter-appended) ---
"""Pipeline reference for scband-temporal-fusion-81630148428322 (READ-ONLY COPY).

The authoritative reference and input builder live on the scoring server;
editing this copy changes nothing except your own understanding.
"""

import jax, jax.numpy as jnp
import numpy as np

N = 10000; E = 320000; DF = 128; DB = 128; DP = 128; DG = 128; GO = 128; B = 64
GIN = DB + DP

def _lin_params(key, din, dout):
    k1, k2 = jax.random.split(key)
    s = 1.0 / np.sqrt(din)
    W = jax.random.uniform(k1, (din, dout), jnp.float32, -s, s)
    b = jax.random.uniform(k2, (dout,), jnp.float32, -s, s)
    return W, b

def setup_inputs(seed: int = 0) -> dict:
    key = jax.random.key(seed)
    ks = jax.random.split(key, 16)
    inp = {}
    inp["z"] = jax.random.normal(ks[0], (N, DB), jnp.float32)
    inp["u"] = jax.random.normal(ks[1], (B, DG), jnp.float32)
    inp["x"] = jax.random.normal(ks[2], (N, DF), jnp.float32)
    inp["edge_index"] = jax.random.randint(ks[3], (2, E), 0, N, jnp.int32)
    inp["batch"] = jnp.sort(jax.random.randint(ks[4], (N,), 0, B, jnp.int32))
    inp["batch_size"] = B
    inp["prev_h"] = jax.random.normal(ks[5], (N, DB), jnp.float32)
    inp["Wp"], inp["bp"] = _lin_params(ks[6], DF, DP)
    inp["Wg"], inp["bg"] = _lin_params(ks[7], DG, GO)
    inp["W_xz"], inp["b_xz"] = _lin_params(ks[8], GIN, DB)
    inp["W_hz"], inp["b_hz"] = _lin_params(ks[9], DB, DB)
    inp["W_xr"], inp["b_xr"] = _lin_params(ks[10], GIN, DB)
    inp["W_hr"], inp["b_hr"] = _lin_params(ks[11], DB, DB)
    inp["W_xh"], inp["b_xh"] = _lin_params(ks[12], GIN, DB)
    inp["W_hh"], inp["b_hh"] = _lin_params(ks[13], DB, DB)
    return inp

def reference(z, u, x, edge_index, batch, batch_size, prev_h, Wp, bp, Wg, bg, W_xz, b_xz, W_hz, b_hz, W_xr, b_xr, W_hr, b_hr, W_xh, b_xh, W_hh, b_hh):
    # raw_features_proj: Linear + ReLU
    x_proj = jax.nn.relu(x @ Wp + bp)
    # GraphGlobalFusion: mean readout over nodes per graph (MeanAggregation)
    num_graphs = u.shape[0]
    sums = jax.ops.segment_sum(z, batch, num_segments=num_graphs)
    cnt = jax.ops.segment_sum(jnp.ones((z.shape[0],), jnp.float32), batch, num_segments=num_graphs)
    graph_emb = sums / jnp.clip(cnt, 1.0, None)[:, None]
    glob_emb = jax.nn.relu(u @ Wg + bg)
    fused = jnp.concatenate([graph_emb, glob_emb], axis=-1)
    fused = fused + (jnp.asarray(batch_size, jnp.float32) * 0.0)
    # GConvGRU with K=1 ChebConv: each conv reduces to a linear map (T_0 = I),
    # so edge_index/edge_weight do not enter the math.
    gin = jnp.concatenate([z, x_proj], axis=-1)
    H = prev_h
    Z = jax.nn.sigmoid(gin @ W_xz + b_xz + H @ W_hz + b_hz)
    R = jax.nn.sigmoid(gin @ W_xr + b_xr + H @ W_hr + b_hr)
    H_tilde = jnp.tanh(gin @ W_xh + b_xh + (R * H) @ W_hh + b_hh)
    H_new = Z * H + (1.0 - Z) * H_tilde
    # torch forward returns (fused, h, c) with c=None for GRU; drop None here
    return (fused, H_new)

if __name__ == "__main__":
    import jax
    _d = setup_inputs()
    print(jax.jit(kernel)(*tuple(_d.values())))

</pallas_src>

<mosaic_0001>
#map = affine_map<(d0, d1) -> (0, 0)>
#map1 = affine_map<(d0, d1) -> (0)>
#map2 = affine_map<(d0, d1) -> (0, 0, 0)>
module attributes {stable_mosaic.version = 14 : i64} {
  func.func @sc_segsum(%arg0: i32, %arg1: i32, %arg2: memref<10000x128xf32, #tpu.memory_space<hbm>>, %arg3: memref<10000xi32, #tpu.memory_space<hbm>>, %arg4: memref<2x64x128xf32, #tpu.memory_space<hbm>>, %arg5: memref<2x64x128xf32, #tpu.memory_space<hbm>>, %arg6: memref<2x80x128xf32, #tpu.memory_space<vmem>>, %arg7: memref<4x80xi32, #tpu.memory_space<vmem>>, %arg8: memref<80x128xf32, #tpu.memory_space<vmem>>, %arg9: memref<64x128xf32, #tpu.memory_space<vmem>>, %arg10: memref<64x128xf32, #tpu.memory_space<vmem_shared>>, %arg11: memref<64x128xf32, #tpu.memory_space<vmem_shared>>, %arg12: memref<!tpu.dma_semaphore, #tpu.memory_space<semaphore_mem>>, %arg13: memref<!tpu.dma_semaphore, #tpu.memory_space<semaphore_mem>>, %arg14: memref<!tpu.dma_semaphore, #tpu.memory_space<semaphore_mem>>, %arg15: memref<!tpu.dma_semaphore, #tpu.memory_space<semaphore_mem>>, %arg16: memref<!tpu.dma_semaphore, #tpu.memory_space<semaphore_mem>>, %arg17: memref<!tpu.dma_semaphore, #tpu.memory_space<semaphore_mem>>) attributes {dimension_semantics = [#tpu.dimension_semantics<core_parallel>, #tpu.dimension_semantics<subcore_parallel>], iteration_bounds = array<i64: 2, 16>, scalar_prefetch = 0 : i64, scratch_operands = 12 : i64, tpu.core_type = #tpu.core_type<sc_vector_subcore>, window_params = [{transform_indices = #map}, {transform_indices = #map1}, {transform_indices = #map2}, {transform_indices = #map2}]} {
    %mul3A = arith.constant 16 : i32
    %mul3A_0 = arith.muli %arg0, %mul3A : i32
    %add3A = arith.addi %mul3A_0, %arg1 : i32
    %broadcast_in_dim3A = arith.constant 1.000000e+00 : f32
    %broadcast_in_dim3A_1 = vector.broadcast %broadcast_in_dim3A : f32 to vector<16xf32>
    %scan3A = arith.constant 0 : i32
    %scan3A_2 = arith.constant 0 : i32
    %scan3A_3 = arith.constant 80 : i32
    %scan3A_4 = arith.addi %scan3A_2, %scan3A_3 : i32
    %scan3A_5 = arith.constant 1 : i32
    %scan3A_6 = scf.for %scan3A_85 = %scan3A_2 to %scan3A_4 step %scan3A_5 iter_args(%scan3A_86 = %scan3A) -> (i32)  : i32 {
      %swap3A = arith.index_cast %scan3A_85 : i32 to index
      %swap3A_87 = arith.constant 0 : index
      %swap3A_88 = tpu.vector_load %arg8[%swap3A, %swap3A_87] {strides = array<i32>} : memref<80x128xf32, #tpu.memory_space<vmem>>, vector<1x16xf32>,
      %swap3A_89 = vector.shape_cast %swap3A_88 : vector<1x16xf32> to vector<16xf32>
      %swap3A_90 = vector.shape_cast %broadcast_in_dim3A_1 : vector<16xf32> to vector<1x16xf32>
      tpu.vector_store %arg8[%swap3A, %swap3A_87], %swap3A_90 {strides = array<i32>} : memref<80x128xf32, #tpu.memory_space<vmem>>, vector<1x16xf32>,
      %swap3A_91 = arith.index_cast %scan3A_85 : i32 to index
      %swap3A_92 = arith.constant 16 : index
      %swap3A_93 = tpu.vector_load %arg8[%swap3A_91, %swap3A_92] {strides = array<i32>} : memref<80x128xf32, #tpu.memory_space<vmem>>, vector<1x16xf32>,
      %swap3A_94 = vector.shape_cast %swap3A_93 : vector<1x16xf32> to vector<16xf32>
      %swap3A_95 = vector.shape_cast %broadcast_in_dim3A_1 : vector<16xf32> to vector<1x16xf32>
      tpu.vector_store %arg8[%swap3A_91, %swap3A_92], %swap3A_95 {strides = array<i32>} : memref<80x128xf32, #tpu.memory_space<vmem>>, vector<1x16xf32>,
      %swap3A_96 = arith.index_cast %scan3A_85 : i32 to index
      %swap3A_97 = arith.constant 32 : index
      %swap3A_98 = tpu.vector_load %arg8[%swap3A_96, %swap3A_97] {strides = array<i32>} : memref<80x128xf32, #tpu.memory_space<vmem>>, vector<1x16xf32>,
      %swap3A_99 = vector.shape_cast %swap3A_98 : vector<1x16xf32> to vector<16xf32>
      %swap3A_100 = vector.shape_cast %broadcast_in_dim3A_1 : vector<16xf32> to vector<1x16xf32>
      tpu.vector_store %arg8[%swap3A_96, %swap3A_97], %swap3A_100 {strides = array<i32>} : memref<80x128xf32, #tpu.memory_space<vmem>>, vector<1x16xf32>,
      %swap3A_101 = arith.index_cast %scan3A_85 : i32 to index
      %swap3A_102 = arith.constant 48 : index
      %swap3A_103 = tpu.vector_load %arg8[%swap3A_101, %swap3A_102] {strides = array<i32>} : memref<80x128xf32, #tpu.memory_space<vmem>>, vector<1x16xf32>,
      %swap3A_104 = vector.shape_cast %swap3A_103 : vector<1x16xf32> to vector<16xf32>
      %swap3A_105 = vector.shape_cast %broadcast_in_dim3A_1 : vector<16xf32> to vector<1x16xf32>
      tpu.vector_store %arg8[%swap3A_101, %swap3A_102], %swap3A_105 {strides = array<i32>} : memref<80x128xf32, #tpu.memory_space<vmem>>, vector<1x16xf32>,
      %swap3A_106 = arith.index_cast %scan3A_85 : i32 to index
      %swap3A_107 = arith.constant 64 : index
      %swap3A_108 = tpu.vector_load %arg8[%swap3A_106, %swap3A_107] {strides = array<i32>} : memref<80x128xf32, #tpu.memory_space<vmem>>, vector<1x16xf32>,
      %swap3A_109 = vector.shape_cast %swap3A_108 : vector<1x16xf32> to vector<16xf32>
      %swap3A_110 = vector.shape_cast %broadcast_in_dim3A_1 : vector<16xf32> to vector<1x16xf32>
      tpu.vector_store %arg8[%swap3A_106, %swap3A_107], %swap3A_110 {strides = array<i32>} : memref<80x128xf32, #tpu.memory_space<vmem>>, vector<1x16xf32>,
      %swap3A_111 = arith.index_cast %scan3A_85 : i32 to index
      %swap3A_112 = arith.constant 80 : index
      %swap3A_113 = tpu.vector_load %arg8[%swap3A_111, %swap3A_112] {strides = array<i32>} : memref<80x128xf32, #tpu.memory_space<vmem>>, vector<1x16xf32>,
      %swap3A_114 = vector.shape_cast %swap3A_113 : vector<1x16xf32> to vector<16xf32>
      %swap3A_115 = vector.shape_cast %broadcast_in_dim3A_1 : vector<16xf32> to vector<1x16xf32>
      tpu.vector_store %arg8[%swap3A_111, %swap3A_112], %swap3A_115 {strides = array<i32>} : memref<80x128xf32, #tpu.memory_space<vmem>>, vector<1x16xf32>,
      %swap3A_116 = arith.index_cast %scan3A_85 : i32 to index
      %swap3A_117 = arith.constant 96 : index
      %swap3A_118 = tpu.vector_load %arg8[%swap3A_116, %swap3A_117] {strides = array<i32>} : memref<80x128xf32, #tpu.memory_space<vmem>>, vector<1x16xf32>,
      %swap3A_119 = vector.shape_cast %swap3A_118 : vector<1x16xf32> to vector<16xf32>
      %swap3A_120 = vector.shape_cast %broadcast_in_dim3A_1 : vector<16xf32> to vector<1x16xf32>
      tpu.vector_store %arg8[%swap3A_116, %swap3A_117], %swap3A_120 {strides = array<i32>} : memref<80x128xf32, #tpu.memory_space<vmem>>, vector<1x16xf32>,
      %swap3A_121 = arith.index_cast %scan3A_85 : i32 to index
      %swap3A_122 = arith.constant 112 : index
      %swap3A_123 = tpu.vector_load %arg8[%swap3A_121, %swap3A_122] {strides = array<i32>} : memref<80x128xf32, #tpu.memory_space<vmem>>, vector<1x16xf32>,
      %swap3A_124 = vector.shape_cast %swap3A_123 : vector<1x16xf32> to vector<16xf32>
      %swap3A_125 = vector.shape_cast %broadcast_in_dim3A_1 : vector<16xf32> to vector<1x16xf32>
      tpu.vector_store %arg8[%swap3A_121, %swap3A_122], %swap3A_125 {strides = array<i32>} : memref<80x128xf32, #tpu.memory_space<vmem>>, vector<1x16xf32>,
      %scan3A_126 = arith.constant 0 : i32
      scf.yield %scan3A_126 : i32
    }
    %scan3A_7 = arith.constant 80 : i32
    %add3A_8 = arith.constant 0 : i32
    %add3A_9 = arith.addi %add3A_8, %add3A : i32
    %lt3A = arith.constant 125 : i32
    %lt3A_10 = arith.cmpi slt, %add3A_9, %lt3A : i32
    %convert_element_type3A = arith.extui %lt3A_10 : i1 to i32
    %cond3A = arith.constant 0 : i32
    %cond3A_11 = arith.cmpi ne, %convert_element_type3A, %cond3A : i32
    scf.if %cond3A_11 {
      %add3A_85 = arith.constant 0 : i32
      %add3A_86 = arith.addi %add3A_85, %add3A : i32
      %mul3A_87 = arith.constant 80 : i32
      %mul3A_88 = arith.muli %add3A_86, %mul3A_87 : i32
      %dma_start3A = arith.constant 0 : i32
      %dma_start3A_89 = arith.constant 0 : i32
      %dma_start3A_90 = arith.constant 0 : i32
      %dma_start3A_91 = tpu.memref_slice %arg6[%dma_start3A, %dma_start3A_89, %dma_start3A_90] : memref<2x80x128xf32, #tpu.memory_space<vmem>> -> memref<1x80x128xf32, #tpu.memory_space<vmem>>
      %dma_start3A_92 = tpu.memref_squeeze %dma_start3A_91 : memref<1x80x128xf32, #tpu.memory_space<vmem>> -> memref<80x128xf32, #tpu.memory_space<vmem>>
      %dma_start3A_93 = arith.constant 0 : i32
      %dma_start3A_94 = tpu.memref_slice %arg2[%mul3A_88, %dma_start3A_93] : memref<10000x128xf32, #tpu.memory_space<hbm>> -> memref<80x128xf32, #tpu.memory_space<hbm>>
      %dma_start3A_95 = arith.constant 0 : i32
      %dma_start3A_96 = arith.constant 0 : i32
      %dma_start3A_97 = tpu.memref_slice %arg6[%dma_start3A, %dma_start3A_95, %dma_start3A_96] : memref<2x80x128xf32, #tpu.memory_space<vmem>> -> memref<1x80x128xf32, #tpu.memory_space<vmem>>
      %dma_start3A_98 = tpu.memref_squeeze %dma_start3A_97 : memref<1x80x128xf32, #tpu.memory_space<vmem>> -> memref<80x128xf32, #tpu.memory_space<vmem>>
      %dma_start3A_99 = arith.constant 0 : i32
      %dma_start3A_100 = tpu.memref_slice %arg2[%mul3A_88, %dma_start3A_99] : memref<10000x128xf32, #tpu.memory_space<hbm>> -> memref<80x128xf32, #tpu.memory_space<hbm>>
      tpu.enqueue_dma source(%dma_start3A_100 : memref<80x128xf32, #tpu.memory_space<hbm>>) target(%dma_start3A_98 : memref<80x128xf32, #tpu.memory_space<vmem>>) target_semaphore(%arg12 : memref<!tpu.dma_semaphore, #tpu.memory_space<semaphore_mem>>)
      %add3A_101 = arith.constant 0 : i32
      %add3A_102 = arith.addi %add3A_101, %add3A : i32
      %mul3A_103 = arith.constant 80 : i32
      %mul3A_104 = arith.muli %add3A_102, %mul3A_103 : i32
      %dma_start3A_105 = arith.constant 0 : i32
      %dma_start3A_106 = arith.constant 0 : i32
      %dma_start3A_107 = tpu.memref_slice %arg7[%dma_start3A_105, %dma_start3A_106] : memref<4x80xi32, #tpu.memory_space<vmem>> -> memref<1x80xi32, #tpu.memory_space<vmem>>
      %dma_start3A_108 = tpu.memref_squeeze %dma_start3A_107 : memref<1x80xi32, #tpu.memory_space<vmem>> -> memref<80xi32, #tpu.memory_space<vmem>>
      %dma_start3A_109 = tpu.memref_slice %arg3[%mul3A_104] : memref<10000xi32, #tpu.memory_space<hbm>> -> memref<80xi32, #tpu.memory_space<hbm>>
      %dma_start3A_110 = arith.constant 0 : i32
      %dma_start3A_111 = tpu.memref_slice %arg7[%dma_start3A_105, %dma_start3A_110] : memref<4x80xi32, #tpu.memory_space<vmem>> -> memref<1x80xi32, #tpu.memory_space<vmem>>
      %dma_start3A_112 = tpu.memref_squeeze %dma_start3A_111 : memref<1x80xi32, #tpu.memory_space<vmem>> -> memref<80xi32, #tpu.memory_space<vmem>>
      %dma_start3A_113 = tpu.memref_slice %arg3[%mul3A_104] : memref<10000xi32, #tpu.memory_space<hbm>> -> memref<80xi32, #tpu.memory_space<hbm>>
      tpu.enqueue_dma source(%dma_start3A_113 : memref<80xi32, #tpu.memory_space<hbm>>) target(%dma_start3A_112 : memref<80xi32, #tpu.memory_space<vmem>>) target_semaphore(%arg12 : memref<!tpu.dma_semaphore, #tpu.memory_space<semaphore_mem>>)
    } else {
    }
    %eq3A = arith.constant 0 : i32
    %eq3A_12 = arith.cmpi eq, %arg1, %eq3A : i32
    %convert_element_type3A_13 = arith.extui %eq3A_12 : i1 to i32
    %cond3A_14 = arith.constant 0 : i32
    %cond3A_15 = arith.cmpi ne, %convert_element_type3A_13, %cond3A_14 : i32
    scf.if %cond3A_15 {
      %broadcast_in_dim3A_85 = arith.constant 0.000000e+00 : f32
      %broadcast_in_dim3A_86 = vector.broadcast %broadcast_in_dim3A_85 : f32 to vector<16xf32>
      %scan3A_87 = arith.constant 0 : i32
      %scan3A_88 = arith.constant 0 : i32
      %scan3A_89 = arith.constant 64 : i32
      %scan3A_90 = arith.addi %scan3A_88, %scan3A_89 : i32
      %scan3A_91 = arith.constant 1 : i32
      %scan3A_92 = scf.for %scan3A_94 = %scan3A_88 to %scan3A_90 step %scan3A_91 iter_args(%scan3A_95 = %scan3A_87) -> (i32)  : i32 {
        %swap3A = arith.index_cast %scan3A_94 : i32 to index
        %swap3A_96 = arith.constant 0 : index
        %swap3A_97 = tpu.vector_load %arg9[%swap3A, %swap3A_96] {strides = array<i32>} : memref<64x128xf32, #tpu.memory_space<vmem>>, vector<1x16xf32>,
        %swap3A_98 = vector.shape_cast %swap3A_97 : vector<1x16xf32> to vector<16xf32>
        %swap3A_99 = vector.shape_cast %broadcast_in_dim3A_86 : vector<16xf32> to vector<1x16xf32>
        tpu.vector_store %arg9[%swap3A, %swap3A_96], %swap3A_99 {strides = array<i32>} : memref<64x128xf32, #tpu.memory_space<vmem>>, vector<1x16xf32>,
        %swap3A_100 = arith.index_cast %scan3A_94 : i32 to index
        %swap3A_101 = arith.constant 16 : index
        %swap3A_102 = tpu.vector_load %arg9[%swap3A_100, %swap3A_101] {strides = array<i32>} : memref<64x128xf32, #tpu.memory_space<vmem>>, vector<1x16xf32>,
        %swap3A_103 = vector.shape_cast %swap3A_102 : vector<1x16xf32> to vector<16xf32>
        %swap3A_104 = vector.shape_cast %broadcast_in_dim3A_86 : vector<16xf32> to vector<1x16xf32>
        tpu.vector_store %arg9[%swap3A_100, %swap3A_101], %swap3A_104 {strides = array<i32>} : memref<64x128xf32, #tpu.memory_space<vmem>>, vector<1x16xf32>,
        %swap3A_105 = arith.index_cast %scan3A_94 : i32 to index
        %swap3A_106 = arith.constant 32 : index
        %swap3A_107 = tpu.vector_load %arg9[%swap3A_105, %swap3A_106] {strides = array<i32>} : memref<64x128xf32, #tpu.memory_space<vmem>>, vector<1x16xf32>,
        %swap3A_108 = vector.shape_cast %swap3A_107 : vector<1x16xf32> to vector<16xf32>
        %swap3A_109 = vector.shape_cast %broadcast_in_dim3A_86 : vector<16xf32> to vector<1x16xf32>
        tpu.vector_store %arg9[%swap3A_105, %swap3A_106], %swap3A_109 {strides = array<i32>} : memref<64x128xf32, #tpu.memory_space<vmem>>, vector<1x16xf32>,
        %swap3A_110 = arith.index_cast %scan3A_94 : i32 to index
        %swap3A_111 = arith.constant 48 : index
        %swap3A_112 = tpu.vector_load %arg9[%swap3A_110, %swap3A_111] {strides = array<i32>} : memref<64x128xf32, #tpu.memory_space<vmem>>, vector<1x16xf32>,
        %swap3A_113 = vector.shape_cast %swap3A_112 : vector<1x16xf32> to vector<16xf32>
        %swap3A_114 = vector.shape_cast %broadcast_in_dim3A_86 : vector<16xf32> to vector<1x16xf32>
        tpu.vector_store %arg9[%swap3A_110, %swap3A_111], %swap3A_114 {strides = array<i32>} : memref<64x128xf32, #tpu.memory_space<vmem>>, vector<1x16xf32>,
        %swap3A_115 = arith.index_cast %scan3A_94 : i32 to index
        %swap3A_116 = arith.constant 64 : index
        %swap3A_117 = tpu.vector_load %arg9[%swap3A_115, %swap3A_116] {strides = array<i32>} : memref<64x128xf32, #tpu.memory_space<vmem>>, vector<1x16xf32>,
        %swap3A_118 = vector.shape_cast %swap3A_117 : vector<1x16xf32> to vector<16xf32>
        %swap3A_119 = vector.shape_cast %broadcast_in_dim3A_86 : vector<16xf32> to vector<1x16xf32>
        tpu.vector_store %arg9[%swap3A_115, %swap3A_116], %swap3A_119 {strides = array<i32>} : memref<64x128xf32, #tpu.memory_space<vmem>>, vector<1x16xf32>,
        %swap3A_120 = arith.index_cast %scan3A_94 : i32 to index
        %swap3A_121 = arith.constant 80 : index
        %swap3A_122 = tpu.vector_load %arg9[%swap3A_120, %swap3A_121] {strides = array<i32>} : memref<64x128xf32, #tpu.memory_space<vmem>>, vector<1x16xf32>,
        %swap3A_123 = vector.shape_cast %swap3A_122 : vector<1x16xf32> to vector<16xf32>
        %swap3A_124 = vector.shape_cast %broadcast_in_dim3A_86 : vector<16xf32> to vector<1x16xf32>
        tpu.vector_store %arg9[%swap3A_120, %swap3A_121], %swap3A_124 {strides = array<i32>} : memref<64x128xf32, #tpu.memory_space<vmem>>, vector<1x16xf32>,
        %swap3A_125 = arith.index_cast %scan3A_94 : i32 to index
        %swap3A_126 = arith.constant 96 : index
        %swap3A_127 = tpu.vector_load %arg9[%swap3A_125, %swap3A_126] {strides = array<i32>} : memref<64x128xf32, #tpu.memory_space<vmem>>, vector<1x16xf32>,
        %swap3A_128 = vector.shape_cast %swap3A_127 : vector<1x16xf32> to vector<16xf32>
        %swap3A_129 = vector.shape_cast %broadcast_in_dim3A_86 : vector<16xf32> to vector<1x16xf32>
        tpu.vector_store %arg9[%swap3A_125, %swap3A_126], %swap3A_129 {strides = array<i32>} : memref<64x128xf32, #tpu.memory_space<vmem>>, vector<1x16xf32>,
        %swap3A_130 = arith.index_cast %scan3A_94 : i32 to index
        %swap3A_131 = arith.constant 112 : index
        %swap3A_132 = tpu.vector_load %arg9[%swap3A_130, %swap3A_131] {strides = array<i32>} : memref<64x128xf32, #tpu.memory_space<vmem>>, vector<1x16xf32>,
        %swap3A_133 = vector.shape_cast %swap3A_132 : vector<1x16xf32> to vector<16xf32>
        %swap3A_134 = vector.shape_cast %broadcast_in_dim3A_86 : vector<16xf32> to vector<1x16xf32>
        tpu.vector_store %arg9[%swap3A_130, %swap3A_131], %swap3A_134 {strides = array<i32>} : memref<64x128xf32, #tpu.memory_space<vmem>>, vector<1x16xf32>,
        %scan3A_135 = arith.constant 0 : i32
        scf.yield %scan3A_135 : i32
      }
      %scan3A_93 = arith.constant 64 : i32
      "tpu.region"() ({
        %run_scoped3A = tpu.sem_alloc : memref<!tpu.dma_semaphore, #tpu.memory_space<semaphore_mem>>
        tpu.enqueue_dma source(%arg9 : memref<64x128xf32, #tpu.memory_space<vmem>>) target(%arg10 : memref<64x128xf32, #tpu.memory_space<vmem_shared>>) target_semaphore(%run_scoped3A : memref<!tpu.dma_semaphore, #tpu.memory_space<semaphore_mem>>)
        tpu.wait_dma2 semaphore(%run_scoped3A : memref<!tpu.dma_semaphore, #tpu.memory_space<semaphore_mem>>) src(%arg9 : memref<64x128xf32, #tpu.memory_space<vmem>>) dst(%arg10 : memref<64x128xf32, #tpu.memory_space<vmem_shared>>)
        tpu.yield
      }) : () -> ()
      "tpu.region"() ({
        %run_scoped3A = tpu.sem_alloc : memref<!tpu.dma_semaphore, #tpu.memory_space<semaphore_mem>>
        tpu.enqueue_dma source(%arg9 : memref<64x128xf32, #tpu.memory_space<vmem>>) target(%arg11 : memref<64x128xf32, #tpu.memory_space<vmem_shared>>) target_semaphore(%run_scoped3A : memref<!tpu.dma_semaphore, #tpu.memory_space<semaphore_mem>>)
        tpu.wait_dma2 semaphore(%run_scoped3A : memref<!tpu.dma_semaphore, #tpu.memory_space<semaphore_mem>>) src(%arg9 : memref<64x128xf32, #tpu.memory_space<vmem>>) dst(%arg11 : memref<64x128xf32, #tpu.memory_space<vmem_shared>>)
        tpu.yield
      }) : () -> ()
    } else {
    }
    %barrier3A = arith.constant 0 : index
    tpu.barrier barrier_id(%barrier3A)
    %add3A_16 = arith.constant 0 : i32
    %add3A_17 = arith.addi %add3A_16, %add3A : i32
    %lt3A_18 = arith.constant 125 : i32
    %lt3A_19 = arith.cmpi slt, %add3A_17, %lt3A_18 : i32
    %convert_element_type3A_20 = arith.extui %lt3A_19 : i1 to i32
    %cond3A_21 = arith.constant 0 : i32
    %cond3A_22 = arith.cmpi ne, %convert_element_type3A_20, %cond3A_21 : i32
    scf.if %cond3A_22 {
      %add3A_85 = arith.constant 0 : i32
      %add3A_86 = arith.addi %add3A_85, %add3A : i32
      %mul3A_87 = arith.constant 80 : i32
      %mul3A_88 = arith.muli %add3A_86, %mul3A_87 : i32
      %dma_wait3A = arith.constant 0 : i32
      %dma_wait3A_89 = arith.constant 0 : i32
      %dma_wait3A_90 = arith.constant 0 : i32
      %dma_wait3A_91 = tpu.memref_slice %arg6[%dma_wait3A, %dma_wait3A_89, %dma_wait3A_90] : memref<2x80x128xf32, #tpu.memory_space<vmem>> -> memref<1x80x128xf32, #tpu.memory_space<vmem>>
      %dma_wait3A_92 = tpu.memref_squeeze %dma_wait3A_91 : memref<1x80x128xf32, #tpu.memory_space<vmem>> -> memref<80x128xf32, #tpu.memory_space<vmem>>
      %dma_wait3A_93 = arith.constant 0 : i32
      %dma_wait3A_94 = tpu.memref_slice %arg2[%mul3A_88, %dma_wait3A_93] : memref<10000x128xf32, #tpu.memory_space<hbm>> -> memref<80x128xf32, #tpu.memory_space<hbm>>
      %dma_wait3A_95 = arith.constant 0 : i32
      %dma_wait3A_96 = arith.constant 0 : i32
      %dma_wait3A_97 = tpu.memref_slice %arg6[%dma_wait3A, %dma_wait3A_95, %dma_wait3A_96] : memref<2x80x128xf32, #tpu.memory_space<vmem>> -> memref<1x80x128xf32, #tpu.memory_space<vmem>>
      %dma_wait3A_98 = tpu.memref_squeeze %dma_wait3A_97 : memref<1x80x128xf32, #tpu.memory_space<vmem>> -> memref<80x128xf32, #tpu.memory_space<vmem>>
      %dma_wait3A_99 = arith.constant 0 : i32
      %dma_wait3A_100 = tpu.memref_slice %arg2[%mul3A_88, %dma_wait3A_99] : memref<10000x128xf32, #tpu.memory_space<hbm>> -> memref<80x128xf32, #tpu.memory_space<hbm>>
      tpu.wait_dma2 semaphore(%arg12 : memref<!tpu.dma_semaphore, #tpu.memory_space<semaphore_mem>>) src(%dma_wait3A_100 : memref<80x128xf32, #tpu.memory_space<hbm>>) dst(%dma_wait3A_98 : memref<80x128xf32, #tpu.memory_space<vmem>>)
      %add3A_101 = arith.constant 0 : i32
      %add3A_102 = arith.addi %add3A_101, %add3A : i32
      %mul3A_103 = arith.constant 80 : i32
      %mul3A_104 = arith.muli %add3A_102, %mul3A_103 : i32
      %dma_wait3A_105 = arith.constant 0 : i32
      %dma_wait3A_106 = arith.constant 0 : i32
      %dma_wait3A_107 = tpu.memref_slice %arg7[%dma_wait3A_105, %dma_wait3A_106] : memref<4x80xi32, #tpu.memory_space<vmem>> -> memref<1x80xi32, #tpu.memory_space<vmem>>
      %dma_wait3A_108 = tpu.memref_squeeze %dma_wait3A_107 : memref<1x80xi32, #tpu.memory_space<vmem>> -> memref<80xi32, #tpu.memory_space<vmem>>
      %dma_wait3A_109 = tpu.memref_slice %arg3[%mul3A_104] : memref<10000xi32, #tpu.memory_space<hbm>> -> memref<80xi32, #tpu.memory_space<hbm>>
      %dma_wait3A_110 = arith.constant 0 : i32
      %dma_wait3A_111 = tpu.memref_slice %arg7[%dma_wait3A_105, %dma_wait3A_110] : memref<4x80xi32, #tpu.memory_space<vmem>> -> memref<1x80xi32, #tpu.memory_space<vmem>>
      %dma_wait3A_112 = tpu.memref_squeeze %dma_wait3A_111 : memref<1x80xi32, #tpu.memory_space<vmem>> -> memref<80xi32, #tpu.memory_space<vmem>>
      %dma_wait3A_113 = tpu.memref_slice %arg3[%mul3A_104] : memref<10000xi32, #tpu.memory_space<hbm>> -> memref<80xi32, #tpu.memory_space<hbm>>
      tpu.wait_dma2 semaphore(%arg12 : memref<!tpu.dma_semaphore, #tpu.memory_space<semaphore_mem>>) src(%dma_wait3A_113 : memref<80xi32, #tpu.memory_space<hbm>>) dst(%dma_wait3A_112 : memref<80xi32, #tpu.memory_space<vmem>>)
      %dma_start3A = arith.constant 0 : i32
      %dma_start3A_114 = arith.constant 0 : i32
      %dma_start3A_115 = arith.constant 0 : i32
      %dma_start3A_116 = arith.constant 0 : i32
      %dma_start3A_117 = tpu.memref_slice %arg6[%dma_start3A, %dma_start3A_115, %dma_start3A_116] : memref<2x80x128xf32, #tpu.memory_space<vmem>> -> memref<1x80x128xf32, #tpu.memory_space<vmem>>
      %dma_start3A_118 = tpu.memref_squeeze %dma_start3A_117 : memref<1x80x128xf32, #tpu.memory_space<vmem>> -> memref<80x128xf32, #tpu.memory_space<vmem>>
      %dma_start3A_119 = arith.constant 0 : i32
      %dma_start3A_120 = tpu.memref_slice %arg7[%dma_start3A_114, %dma_start3A_119] : memref<4x80xi32, #tpu.memory_space<vmem>> -> memref<1x80xi32, #tpu.memory_space<vmem>>
      %dma_start3A_121 = tpu.memref_squeeze %dma_start3A_120 : memref<1x80xi32, #tpu.memory_space<vmem>> -> memref<80xi32, #tpu.memory_space<vmem>>
      %dma_start3A_122 = arith.constant 0 : i32
      %dma_start3A_123 = arith.constant 0 : i32
      %dma_start3A_124 = tpu.memref_slice %arg10[%dma_start3A_122, %dma_start3A_123] : memref<64x128xf32, #tpu.memory_space<vmem_shared>> -> memref<64x128xf32, #tpu.memory_space<vmem_shared>>
      tpu.enqueue_indirect_dma source(%dma_start3A_118 : memref<80x128xf32, #tpu.memory_space<vmem>>) target(%dma_start3A_124 : memref<64x128xf32, #tpu.memory_space<vmem_shared>>) offsets(%dma_start3A_121 : memref<80xi32, #tpu.memory_space<vmem>>) semaphore(%arg14 : memref<!tpu.dma_semaphore, #tpu.memory_space<semaphore_mem>>) {add = true}
      %dma_start3A_125 = arith.constant 0 : i32
      %dma_start3A_126 = arith.constant 0 : i32
      %dma_start3A_127 = tpu.memref_slice %arg7[%dma_start3A_125, %dma_start3A_126] : memref<4x80xi32, #tpu.memory_space<vmem>> -> memref<1x80xi32, #tpu.memory_space<vmem>>
      %dma_start3A_128 = tpu.memref_squeeze %dma_start3A_127 : memref<1x80xi32, #tpu.memory_space<vmem>> -> memref<80xi32, #tpu.memory_space<vmem>>
      %dma_start3A_129 = arith.constant 0 : i32
      %dma_start3A_130 = arith.constant 0 : i32
      %dma_start3A_131 = tpu.memref_slice %arg11[%dma_start3A_129, %dma_start3A_130] : memref<64x128xf32, #tpu.memory_space<vmem_shared>> -> memref<64x128xf32, #tpu.memory_space<vmem_shared>>
      tpu.enqueue_indirect_dma source(%arg8 : memref<80x128xf32, #tpu.memory_space<vmem>>) target(%dma_start3A_131 : memref<64x128xf32, #tpu.memory_space<vmem_shared>>) offsets(%dma_start3A_128 : memref<80xi32, #tpu.memory_space<vmem>>) semaphore(%arg16 : memref<!tpu.dma_semaphore, #tpu.memory_space<semaphore_mem>>) {add = true}
    } else {
    }
    %add3A_23 = arith.constant 32 : i32
    %add3A_24 = arith.addi %add3A_23, %add3A : i32
    %lt3A_25 = arith.constant 125 : i32
    %lt3A_26 = arith.cmpi slt, %add3A_24, %lt3A_25 : i32
    %convert_element_type3A_27 = arith.extui %lt3A_26 : i1 to i32
    %cond3A_28 = arith.constant 0 : i32
    %cond3A_29 = arith.cmpi ne, %convert_element_type3A_27, %cond3A_28 : i32
    scf.if %cond3A_29 {
      %add3A_85 = arith.constant 32 : i32
      %add3A_86 = arith.addi %add3A_85, %add3A : i32
      %mul3A_87 = arith.constant 80 : i32
      %mul3A_88 = arith.muli %add3A_86, %mul3A_87 : i32
      %dma_start3A = arith.constant 1 : i32
      %dma_start3A_89 = arith.constant 0 : i32
      %dma_start3A_90 = arith.constant 0 : i32
      %dma_start3A_91 = tpu.memref_slice %arg6[%dma_start3A, %dma_start3A_89, %dma_start3A_90] : memref<2x80x128xf32, #tpu.memory_space<vmem>> -> memref<1x80x128xf32, #tpu.memory_space<vmem>>
      %dma_start3A_92 = tpu.memref_squeeze %dma_start3A_91 : memref<1x80x128xf32, #tpu.memory_space<vmem>> -> memref<80x128xf32, #tpu.memory_space<vmem>>
      %dma_start3A_93 = arith.constant 0 : i32
      %dma_start3A_94 = tpu.memref_slice %arg2[%mul3A_88, %dma_start3A_93] : memref<10000x128xf32, #tpu.memory_space<hbm>> -> memref<80x128xf32, #tpu.memory_space<hbm>>
      %dma_start3A_95 = arith.constant 0 : i32
      %dma_start3A_96 = arith.constant 0 : i32
      %dma_start3A_97 = tpu.memref_slice %arg6[%dma_start3A, %dma_start3A_95, %dma_start3A_96] : memref<2x80x128xf32, #tpu.memory_space<vmem>> -> memref<1x80x128xf32, #tpu.memory_space<vmem>>
      %dma_start3A_98 = tpu.memref_squeeze %dma_start3A_97 : memref<1x80x128xf32, #tpu.memory_space<vmem>> -> memref<80x128xf32, #tpu.memory_space<vmem>>
      %dma_start3A_99 = arith.constant 0 : i32
      %dma_start3A_100 = tpu.memref_slice %arg2[%mul3A_88, %dma_start3A_99] : memref<10000x128xf32, #tpu.memory_space<hbm>> -> memref<80x128xf32, #tpu.memory_space<hbm>>
      tpu.enqueue_dma source(%dma_start3A_100 : memref<80x128xf32, #tpu.memory_space<hbm>>) target(%dma_start3A_98 : memref<80x128xf32, #tpu.memory_space<vmem>>) target_semaphore(%arg13 : memref<!tpu.dma_semaphore, #tpu.memory_space<semaphore_mem>>)
      %add3A_101 = arith.constant 32 : i32
      %add3A_102 = arith.addi %add3A_101, %add3A : i32
      %mul3A_103 = arith.constant 80 : i32
      %mul3A_104 = arith.muli %add3A_102, %mul3A_103 : i32
      %dma_start3A_105 = arith.constant 1 : i32
      %dma_start3A_106 = arith.constant 0 : i32
      %dma_start3A_107 = tpu.memref_slice %arg7[%dma_start3A_105, %dma_start3A_106] : memref<4x80xi32, #tpu.memory_space<vmem>> -> memref<1x80xi32, #tpu.memory_space<vmem>>
      %dma_start3A_108 = tpu.memref_squeeze %dma_start3A_107 : memref<1x80xi32, #tpu.memory_space<vmem>> -> memref<80xi32, #tpu.memory_space<vmem>>
      %dma_start3A_109 = tpu.memref_slice %arg3[%mul3A_104] : memref<10000xi32, #tpu.memory_space<hbm>> -> memref<80xi32, #tpu.memory_space<hbm>>
      %dma_start3A_110 = arith.constant 0 : i32
      %dma_start3A_111 = tpu.memref_slice %arg7[%dma_start3A_105, %dma_start3A_110] : memref<4x80xi32, #tpu.memory_space<vmem>> -> memref<1x80xi32, #tpu.memory_space<vmem>>
      %dma_start3A_112 = tpu.memref_squeeze %dma_start3A_111 : memref<1x80xi32, #tpu.memory_space<vmem>> -> memref<80xi32, #tpu.memory_space<vmem>>
      %dma_start3A_113 = tpu.memref_slice %arg3[%mul3A_104] : memref<10000xi32, #tpu.memory_space<hbm>> -> memref<80xi32, #tpu.memory_space<hbm>>
      tpu.enqueue_dma source(%dma_start3A_113 : memref<80xi32, #tpu.memory_space<hbm>>) target(%dma_start3A_112 : memref<80xi32, #tpu.memory_space<vmem>>) target_semaphore(%arg13 : memref<!tpu.dma_semaphore, #tpu.memory_space<semaphore_mem>>)
    } else {
    }
    %add3A_30 = arith.constant 32 : i32
    %add3A_31 = arith.addi %add3A_30, %add3A : i32
    %lt3A_32 = arith.constant 125 : i32
    %lt3A_33 = arith.cmpi slt, %add3A_31, %lt3A_32 : i32
    %convert_element_type3A_34 = arith.extui %lt3A_33 : i1 to i32
    %cond3A_35 = arith.constant 0 : i32
    %cond3A_36 = arith.cmpi ne, %convert_element_type3A_34, %cond3A_35 : i32
    scf.if %cond3A_36 {
      %add3A_85 = arith.constant 32 : i32
      %add3A_86 = arith.addi %add3A_85, %add3A : i32
      %mul3A_87 = arith.constant 80 : i32
      %mul3A_88 = arith.muli %add3A_86, %mul3A_87 : i32
      %dma_wait3A = arith.constant 1 : i32
      %dma_wait3A_89 = arith.constant 0 : i32
      %dma_wait3A_90 = arith.constant 0 : i32
      %dma_wait3A_91 = tpu.memref_slice %arg6[%dma_wait3A, %dma_wait3A_89, %dma_wait3A_90] : memref<2x80x128xf32, #tpu.memory_space<vmem>> -> memref<1x80x128xf32, #tpu.memory_space<vmem>>
      %dma_wait3A_92 = tpu.memref_squeeze %dma_wait3A_91 : memref<1x80x128xf32, #tpu.memory_space<vmem>> -> memref<80x128xf32, #tpu.memory_space<vmem>>
      %dma_wait3A_93 = arith.constant 0 : i32
      %dma_wait3A_94 = tpu.memref_slice %arg2[%mul3A_88, %dma_wait3A_93] : memref<10000x128xf32, #tpu.memory_space<hbm>> -> memref<80x128xf32, #tpu.memory_space<hbm>>
      %dma_wait3A_95 = arith.constant 0 : i32
      %dma_wait3A_96 = arith.constant 0 : i32
      %dma_wait3A_97 = tpu.memref_slice %arg6[%dma_wait3A, %dma_wait3A_95, %dma_wait3A_96] : memref<2x80x128xf32, #tpu.memory_space<vmem>> -> memref<1x80x128xf32, #tpu.memory_space<vmem>>
      %dma_wait3A_98 = tpu.memref_squeeze %dma_wait3A_97 : memref<1x80x128xf32, #tpu.memory_space<vmem>> -> memref<80x128xf32, #tpu.memory_space<vmem>>
      %dma_wait3A_99 = arith.constant 0 : i32
      %dma_wait3A_100 = tpu.memref_slice %arg2[%mul3A_88, %dma_wait3A_99] : memref<10000x128xf32, #tpu.memory_space<hbm>> -> memref<80x128xf32, #tpu.memory_space<hbm>>
      tpu.wait_dma2 semaphore(%arg13 : memref<!tpu.dma_semaphore, #tpu.memory_space<semaphore_mem>>) src(%dma_wait3A_100 : memref<80x128xf32, #tpu.memory_space<hbm>>) dst(%dma_wait3A_98 : memref<80x128xf32, #tpu.memory_space<vmem>>)
      %add3A_101 = arith.constant 32 : i32
      %add3A_102 = arith.addi %add3A_101, %add3A : i32
      %mul3A_103 = arith.constant 80 : i32
      %mul3A_104 = arith.muli %add3A_102, %mul3A_103 : i32
      %dma_wait3A_105 = arith.constant 1 : i32
      %dma_wait3A_106 = arith.constant 0 : i32
      %dma_wait3A_107 = tpu.memref_slice %arg7[%dma_wait3A_105, %dma_wait3A_106] : memref<4x80xi32, #tpu.memory_space<vmem>> -> memref<1x80xi32, #tpu.memory_space<vmem>>
      %dma_wait3A_108 = tpu.memref_squeeze %dma_wait3A_107 : memref<1x80xi32, #tpu.memory_space<vmem>> -> memref<80xi32, #tpu.memory_space<vmem>>
      %dma_wait3A_109 = tpu.memref_slice %arg3[%mul3A_104] : memref<10000xi32, #tpu.memory_space<hbm>> -> memref<80xi32, #tpu.memory_space<hbm>>
      %dma_wait3A_110 = arith.constant 0 : i32
      %dma_wait3A_111 = tpu.memref_slice %arg7[%dma_wait3A_105, %dma_wait3A_110] : memref<4x80xi32, #tpu.memory_space<vmem>> -> memref<1x80xi32, #tpu.memory_space<vmem>>
      %dma_wait3A_112 = tpu.memref_squeeze %dma_wait3A_111 : memref<1x80xi32, #tpu.memory_space<vmem>> -> memref<80xi32, #tpu.memory_space<vmem>>
      %dma_wait3A_113 = tpu.memref_slice %arg3[%mul3A_104] : memref<10000xi32, #tpu.memory_space<hbm>> -> memref<80xi32, #tpu.memory_space<hbm>>
      tpu.wait_dma2 semaphore(%arg13 : memref<!tpu.dma_semaphore, #tpu.memory_space<semaphore_mem>>) src(%dma_wait3A_113 : memref<80xi32, #tpu.memory_space<hbm>>) dst(%dma_wait3A_112 : memref<80xi32, #tpu.memory_space<vmem>>)
      %dma_start3A = arith.constant 1 : i32
      %dma_start3A_114 = arith.constant 1 : i32
      %dma_start3A_115 = arith.constant 0 : i32
      %dma_start3A_116 = arith.constant 0 : i32
      %dma_start3A_117 = tpu.memref_slice %arg6[%dma_start3A, %dma_start3A_115, %dma_start3A_116] : memref<2x80x128xf32, #tpu.memory_space<vmem>> -> memref<1x80x128xf32, #tpu.memory_space<vmem>>
      %dma_start3A_118 = tpu.memref_squeeze %dma_start3A_117 : memref<1x80x128xf32, #tpu.memory_space<vmem>> -> memref<80x128xf32, #tpu.memory_space<vmem>>
      %dma_start3A_119 = arith.constant 0 : i32
      %dma_start3A_120 = tpu.memref_slice %arg7[%dma_start3A_114, %dma_start3A_119] : memref<4x80xi32, #tpu.memory_space<vmem>> -> memref<1x80xi32, #tpu.memory_space<vmem>>
      %dma_start3A_121 = tpu.memref_squeeze %dma_start3A_120 : memref<1x80xi32, #tpu.memory_space<vmem>> -> memref<80xi32, #tpu.memory_space<vmem>>
      %dma_start3A_122 = arith.constant 0 : i32
      %dma_start3A_123 = arith.constant 0 : i32
      %dma_start3A_124 = tpu.memref_slice %arg10[%dma_start3A_122, %dma_start3A_123] : memref<64x128xf32, #tpu.memory_space<vmem_shared>> -> memref<64x128xf32, #tpu.memory_space<vmem_shared>>
      tpu.enqueue_indirect_dma source(%dma_start3A_118 : memref<80x128xf32, #tpu.memory_space<vmem>>) target(%dma_start3A_124 : memref<64x128xf32, #tpu.memory_space<vmem_shared>>) offsets(%dma_start3A_121 : memref<80xi32, #tpu.memory_space<vmem>>) semaphore(%arg15 : memref<!tpu.dma_semaphore, #tpu.memory_space<semaphore_mem>>) {add = true}
      %dma_start3A_125 = arith.constant 1 : i32
      %dma_start3A_126 = arith.constant 0 : i32
      %dma_start3A_127 = tpu.memref_slice %arg7[%dma_start3A_125, %dma_start3A_126] : memref<4x80xi32, #tpu.memory_space<vmem>> -> memref<1x80xi32, #tpu.memory_space<vmem>>
      %dma_start3A_128 = tpu.memref_squeeze %dma_start3A_127 : memref<1x80xi32, #tpu.memory_space<vmem>> -> memref<80xi32, #tpu.memory_space<vmem>>
      %dma_start3A_129 = arith.constant 0 : i32
      %dma_start3A_130 = arith.constant 0 : i32
      %dma_start3A_131 = tpu.memref_slice %arg11[%dma_start3A_129, %dma_start3A_130] : memref<64x128xf32, #tpu.memory_space<vmem_shared>> -> memref<64x128xf32, #tpu.memory_space<vmem_shared>>
      tpu.enqueue_indirect_dma source(%arg8 : memref<80x128xf32, #tpu.memory_space<vmem>>) target(%dma_start3A_131 : memref<64x128xf32, #tpu.memory_space<vmem_shared>>) offsets(%dma_start3A_128 : memref<80xi32, #tpu.memory_space<vmem>>) semaphore(%arg17 : memref<!tpu.dma_semaphore, #tpu.memory_space<semaphore_mem>>) {add = true}
    } else {
    }
    %add3A_37 = arith.constant 64 : i32
    %add3A_38 = arith.addi %add3A_37, %add3A : i32
    %lt3A_39 = arith.constant 125 : i32
    %lt3A_40 = arith.cmpi slt, %add3A_38, %lt3A_39 : i32
    %convert_element_type3A_41 = arith.extui %lt3A_40 : i1 to i32
    %cond3A_42 = arith.constant 0 : i32
    %cond3A_43 = arith.cmpi ne, %convert_element_type3A_41, %cond3A_42 : i32
    scf.if %cond3A_43 {
      %dma_wait3A = arith.constant 0 : i32
      %dma_wait3A_85 = arith.constant 0 : i32
      %dma_wait3A_86 = arith.constant 0 : i32
      %dma_wait3A_87 = arith.constant 0 : i32
      %dma_wait3A_88 = tpu.memref_slice %arg6[%dma_wait3A, %dma_wait3A_86, %dma_wait3A_87] : memref<2x80x128xf32, #tpu.memory_space<vmem>> -> memref<1x80x128xf32, #tpu.memory_space<vmem>>
      %dma_wait3A_89 = tpu.memref_squeeze %dma_wait3A_88 : memref<1x80x128xf32, #tpu.memory_space<vmem>> -> memref<80x128xf32, #tpu.memory_space<vmem>>
      %dma_wait3A_90 = arith.constant 0 : i32
      %dma_wait3A_91 = tpu.memref_slice %arg7[%dma_wait3A_85, %dma_wait3A_90] : memref<4x80xi32, #tpu.memory_space<vmem>> -> memref<1x80xi32, #tpu.memory_space<vmem>>
      %dma_wait3A_92 = tpu.memref_squeeze %dma_wait3A_91 : memref<1x80xi32, #tpu.memory_space<vmem>> -> memref<80xi32, #tpu.memory_space<vmem>>
      %dma_wait3A_93 = arith.constant 0 : i32
      %dma_wait3A_94 = arith.constant 0 : i32
      %dma_wait3A_95 = tpu.memref_slice %arg10[%dma_wait3A_93, %dma_wait3A_94] : memref<64x128xf32, #tpu.memory_space<vmem_shared>> -> memref<64x128xf32, #tpu.memory_space<vmem_shared>>
      tpu.wait_indirect_dma semaphore(%arg14 : memref<!tpu.dma_semaphore, #tpu.memory_space<semaphore_mem>>) src(%dma_wait3A_89 : memref<80x128xf32, #tpu.memory_space<vmem>>) dst(%dma_wait3A_95 : memref<64x128xf32, #tpu.memory_space<vmem_shared>>)
      %dma_wait3A_96 = arith.constant 0 : i32
      %dma_wait3A_97 = arith.constant 0 : i32
      %dma_wait3A_98 = tpu.memref_slice %arg7[%dma_wait3A_96, %dma_wait3A_97] : memref<4x80xi32, #tpu.memory_space<vmem>> -> memref<1x80xi32, #tpu.memory_space<vmem>>
      %dma_wait3A_99 = tpu.memref_squeeze %dma_wait3A_98 : memref<1x80xi32, #tpu.memory_space<vmem>> -> memref<80xi32, #tpu.memory_space<vmem>>
      %dma_wait3A_100 = arith.constant 0 : i32
      %dma_wait3A_101 = arith.constant 0 : i32
      %dma_wait3A_102 = tpu.memref_slice %arg11[%dma_wait3A_100, %dma_wait3A_101] : memref<64x128xf32, #tpu.memory_space<vmem_shared>> -> memref<64x128xf32, #tpu.memory_space<vmem_shared>>
      tpu.wait_indirect_dma semaphore(%arg16 : memref<!tpu.dma_semaphore, #tpu.memory_space<semaphore_mem>>) src(%arg8 : memref<80x128xf32, #tpu.memory_space<vmem>>) dst(%dma_wait3A_102 : memref<64x128xf32, #tpu.memory_space<vmem_shared>>)
      %add3A_103 = arith.constant 64 : i32
      %add3A_104 = arith.addi %add3A_103, %add3A : i32
      %mul3A_105 = arith.constant 80 : i32
      %mul3A_106 = arith.muli %add3A_104, %mul3A_105 : i32
      %dma_start3A = arith.constant 0 : i32
      %dma_start3A_107 = arith.constant 0 : i32
      %dma_start3A_108 = arith.constant 0 : i32
      %dma_start3A_109 = tpu.memref_slice %arg6[%dma_start3A, %dma_start3A_107, %dma_start3A_108] : memref<2x80x128xf32, #tpu.memory_space<vmem>> -> memref<1x80x128xf32, #tpu.memory_space<vmem>>
      %dma_start3A_110 = tpu.memref_squeeze %dma_start3A_109 : memref<1x80x128xf32, #tpu.memory_space<vmem>> -> memref<80x128xf32, #tpu.memory_space<vmem>>
      %dma_start3A_111 = arith.constant 0 : i32
      %dma_start3A_112 = tpu.memref_slice %arg2[%mul3A_106, %dma_start3A_111] : memref<10000x128xf32, #tpu.memory_space<hbm>> -> memref<80x128xf32, #tpu.memory_space<hbm>>
      %dma_start3A_113 = arith.constant 0 : i32
      %dma_start3A_114 = arith.constant 0 : i32
      %dma_start3A_115 = tpu.memref_slice %arg6[%dma_start3A, %dma_start3A_113, %dma_start3A_114] : memref<2x80x128xf32, #tpu.memory_space<vmem>> -> memref<1x80x128xf32, #tpu.memory_space<vmem>>
      %dma_start3A_116 = tpu.memref_squeeze %dma_start3A_115 : memref<1x80x128xf32, #tpu.memory_space<vmem>> -> memref<80x128xf32, #tpu.memory_space<vmem>>
      %dma_start3A_117 = arith.constant 0 : i32
      %dma_start3A_118 = tpu.memref_slice %arg2[%mul3A_106, %dma_start3A_117] : memref<10000x128xf32, #tpu.memory_space<hbm>> -> memref<80x128xf32, #tpu.memory_space<hbm>>
      tpu.enqueue_dma source(%dma_start3A_118 : memref<80x128xf32, #tpu.memory_space<hbm>>) target(%dma_start3A_116 : memref<80x128xf32, #tpu.memory_space<vmem>>) target_semaphore(%arg12 : memref<!tpu.dma_semaphore, #tpu.memory_space<semaphore_mem>>)
      %add3A_119 = arith.constant 64 : i32
      %add3A_120 = arith.addi %add3A_119, %add3A : i32
      %mul3A_121 = arith.constant 80 : i32
      %mul3A_122 = arith.muli %add3A_120, %mul3A_121 : i32
      %dma_start3A_123 = arith.constant 2 : i32
      %dma_start3A_124 = arith.constant 0 : i32
      %dma_start3A_125 = tpu.memref_slice %arg7[%dma_start3A_123, %dma_start3A_124] : memref<4x80xi32, #tpu.memory_space<vmem>> -> memref<1x80xi32, #tpu.memory_space<vmem>>
      %dma_start3A_126 = tpu.memref_squeeze %dma_start3A_125 : memref<1x80xi32, #tpu.memory_space<vmem>> -> memref<80xi32, #tpu.memory_space<vmem>>
      %dma_start3A_127 = tpu.memref_slice %arg3[%mul3A_122] : memref<10000xi32, #tpu.memory_space<hbm>> -> memref<80xi32, #tpu.memory_space<hbm>>
      %dma_start3A_128 = arith.constant 0 : i32
      %dma_start3A_129 = tpu.memref_slice %arg7[%dma_start3A_123, %dma_start3A_128] : memref<4x80xi32, #tpu.memory_space<vmem>> -> memref<1x80xi32, #tpu.memory_space<vmem>>
      %dma_start3A_130 = tpu.memref_squeeze %dma_start3A_129 : memref<1x80xi32, #tpu.memory_space<vmem>> -> memref<80xi32, #tpu.memory_space<vmem>>
      %dma_start3A_131 = tpu.memref_slice %arg3[%mul3A_122] : memref<10000xi32, #tpu.memory_space<hbm>> -> memref<80xi32, #tpu.memory_space<hbm>>
      tpu.enqueue_dma source(%dma_start3A_131 : memref<80xi32, #tpu.memory_space<hbm>>) target(%dma_start3A_130 : memref<80xi32, #tpu.memory_space<vmem>>) target_semaphore(%arg12 : memref<!tpu.dma_semaphore, #tpu.memory_space<semaphore_mem>>)
    } else {
    }
    %add3A_44 = arith.constant 64 : i32
    %add3A_45 = arith.addi %add3A_44, %add3A : i32
    %lt3A_46 = arith.constant 125 : i32
    %lt3A_47 = arith.cmpi slt, %add3A_45, %lt3A_46 : i32
    %convert_element_type3A_48 = arith.extui %lt3A_47 : i1 to i32
    %cond3A_49 = arith.constant 0 : i32
    %cond3A_50 = arith.cmpi ne, %convert_element_type3A_48, %cond3A_49 : i32
    scf.if %cond3A_50 {
      %add3A_85 = arith.constant 64 : i32
      %add3A_86 = arith.addi %add3A_85, %add3A : i32
      %mul3A_87 = arith.constant 80 : i32
      %mul3A_88 = arith.muli %add3A_86, %mul3A_87 : i32
      %dma_wait3A = arith.constant 0 : i32
      %dma_wait3A_89 = arith.constant 0 : i32
      %dma_wait3A_90 = arith.constant 0 : i32
      %dma_wait3A_91 = tpu.memref_slice %arg6[%dma_wait3A, %dma_wait3A_89, %dma_wait3A_90] : memref<2x80x128xf32, #tpu.memory_space<vmem>> -> memref<1x80x128xf32, #tpu.memory_space<vmem>>
      %dma_wait3A_92 = tpu.memref_squeeze %dma_wait3A_91 : memref<1x80x128xf32, #tpu.memory_space<vmem>> -> memref<80x128xf32, #tpu.memory_space<vmem>>
      %dma_wait3A_93 = arith.constant 0 : i32
      %dma_wait3A_94 = tpu.memref_slice %arg2[%mul3A_88, %dma_wait3A_93] : memref<10000x128xf32, #tpu.memory_space<hbm>> -> memref<80x128xf32, #tpu.memory_space<hbm>>
      %dma_wait3A_95 = arith.constant 0 : i32
      %dma_wait3A_96 = arith.constant 0 : i32
      %dma_wait3A_97 = tpu.memref_slice %arg6[%dma_wait3A, %dma_wait3A_95, %dma_wait3A_96] : memref<2x80x128xf32, #tpu.memory_space<vmem>> -> memref<1x80x128xf32, #tpu.memory_space<vmem>>
      %dma_wait3A_98 = tpu.memref_squeeze %dma_wait3A_97 : memref<1x80x128xf32, #tpu.memory_space<vmem>> -> memref<80x128xf32, #tpu.memory_space<vmem>>
      %dma_wait3A_99 = arith.constant 0 : i32
      %dma_wait3A_100 = tpu.memref_slice %arg2[%mul3A_88, %dma_wait3A_99] : memref<10000x128xf32, #tpu.memory_space<hbm>> -> memref<80x128xf32, #tpu.memory_space<hbm>>
      tpu.wait_dma2 semaphore(%arg12 : memref<!tpu.dma_semaphore, #tpu.memory_space<semaphore_mem>>) src(%dma_wait3A_100 : memref<80x128xf32, #tpu.memory_space<hbm>>) dst(%dma_wait3A_98 : memref<80x128xf32, #tpu.memory_space<vmem>>)
      %add3A_101 = arith.constant 64 : i32
      %add3A_102 = arith.addi %add3A_101, %add3A : i32
      %mul3A_103 = arith.constant 80 : i32
      %mul3A_104 = arith.muli %add3A_102, %mul3A_103 : i32
      %dma_wait3A_105 = arith.constant 2 : i32
      %dma_wait3A_106 = arith.constant 0 : i32
      %dma_wait3A_107 = tpu.memref_slice %arg7[%dma_wait3A_105, %dma_wait3A_106] : memref<4x80xi32, #tpu.memory_space<vmem>> -> memref<1x80xi32, #tpu.memory_space<vmem>>
      %dma_wait3A_108 = tpu.memref_squeeze %dma_wait3A_107 : memref<1x80xi32, #tpu.memory_space<vmem>> -> memref<80xi32, #tpu.memory_space<vmem>>
      %dma_wait3A_109 = tpu.memref_slice %arg3[%mul3A_104] : memref<10000xi32, #tpu.memory_space<hbm>> -> memref<80xi32, #tpu.memory_space<hbm>>
      %dma_wait3A_110 = arith.constant 0 : i32
      %dma_wait3A_111 = tpu.memref_slice %arg7[%dma_wait3A_105, %dma_wait3A_110] : memref<4x80xi32, #tpu.memory_space<vmem>> -> memref<1x80xi32, #tpu.memory_space<vmem>>
      %dma_wait3A_112 = tpu.memref_squeeze %dma_wait3A_111 : memref<1x80xi32, #tpu.memory_space<vmem>> -> memref<80xi32, #tpu.memory_space<vmem>>
      %dma_wait3A_113 = tpu.memref_slice %arg3[%mul3A_104] : memref<10000xi32, #tpu.memory_space<hbm>> -> memref<80xi32, #tpu.memory_space<hbm>>
      tpu.wait_dma2 semaphore(%arg12 : memref<!tpu.dma_semaphore, #tpu.memory_space<semaphore_mem>>) src(%dma_wait3A_113 : memref<80xi32, #tpu.memory_space<hbm>>) dst(%dma_wait3A_112 : memref<80xi32, #tpu.memory_space<vmem>>)
      %dma_start3A = arith.constant 0 : i32
      %dma_start3A_114 = arith.constant 2 : i32
      %dma_start3A_115 = arith.constant 0 : i32
      %dma_start3A_116 = arith.constant 0 : i32
      %dma_start3A_117 = tpu.memref_slice %arg6[%dma_start3A, %dma_start3A_115, %dma_start3A_116] : memref<2x80x128xf32, #tpu.memory_space<vmem>> -> memref<1x80x128xf32, #tpu.memory_space<vmem>>
      %dma_start3A_118 = tpu.memref_squeeze %dma_start3A_117 : memref<1x80x128xf32, #tpu.memory_space<vmem>> -> memref<80x128xf32, #tpu.memory_space<vmem>>
      %dma_start3A_119 = arith.constant 0 : i32
      %dma_start3A_120 = tpu.memref_slice %arg7[%dma_start3A_114, %dma_start3A_119] : memref<4x80xi32, #tpu.memory_space<vmem>> -> memref<1x80xi32, #tpu.memory_space<vmem>>
      %dma_start3A_121 = tpu.memref_squeeze %dma_start3A_120 : memref<1x80xi32, #tpu.memory_space<vmem>> -> memref<80xi32, #tpu.memory_space<vmem>>
      %dma_start3A_122 = arith.constant 0 : i32
      %dma_start3A_123 = arith.constant 0 : i32
      %dma_start3A_124 = tpu.memref_slice %arg10[%dma_start3A_122, %dma_start3A_123] : memref<64x128xf32, #tpu.memory_space<vmem_shared>> -> memref<64x128xf32, #tpu.memory_space<vmem_shared>>
      tpu.enqueue_indirect_dma source(%dma_start3A_118 : memref<80x128xf32, #tpu.memory_space<vmem>>) target(%dma_start3A_124 : memref<64x128xf32, #tpu.memory_space<vmem_shared>>) offsets(%dma_start3A_121 : memref<80xi32, #tpu.memory_space<vmem>>) semaphore(%arg14 : memref<!tpu.dma_semaphore, #tpu.memory_space<semaphore_mem>>) {add = true}
      %dma_start3A_125 = arith.constant 2 : i32
      %dma_start3A_126 = arith.constant 0 : i32
      %dma_start3A_127 = tpu.memref_slice %arg7[%dma_start3A_125, %dma_start3A_126] : memref<4x80xi32, #tpu.memory_space<vmem>> -> memref<1x80xi32, #tpu.memory_space<vmem>>
      %dma_start3A_128 = tpu.memref_squeeze %dma_start3A_127 : memref<1x80xi32, #tpu.memory_space<vmem>> -> memref<80xi32, #tpu.memory_space<vmem>>
      %dma_start3A_129 = arith.constant 0 : i32
      %dma_start3A_130 = arith.constant 0 : i32
      %dma_start3A_131 = tpu.memref_slice %arg11[%dma_start3A_129, %dma_start3A_130] : memref<64x128xf32, #tpu.memory_space<vmem_shared>> -> memref<64x128xf32, #tpu.memory_space<vmem_shared>>
      tpu.enqueue_indirect_dma source(%arg8 : memref<80x128xf32, #tpu.memory_space<vmem>>) target(%dma_start3A_131 : memref<64x128xf32, #tpu.memory_space<vmem_shared>>) offsets(%dma_start3A_128 : memref<80xi32, #tpu.memory_space<vmem>>) semaphore(%arg16 : memref<!tpu.dma_semaphore, #tpu.memory_space<semaphore_mem>>) {add = true}
    } else {
    }
    %add3A_51 = arith.constant 96 : i32
    %add3A_52 = arith.addi %add3A_51, %add3A : i32
    %lt3A_53 = arith.constant 125 : i32
    %lt3A_54 = arith.cmpi slt, %add3A_52, %lt3A_53 : i32
    %convert_element_type3A_55 = arith.extui %lt3A_54 : i1 to i32
    %cond3A_56 = arith.constant 0 : i32
    %cond3A_57 = arith.cmpi ne, %convert_element_type3A_55, %cond3A_56 : i32
    scf.if %cond3A_57 {
      %dma_wait3A = arith.constant 1 : i32
      %dma_wait3A_85 = arith.constant 1 : i32
      %dma_wait3A_86 = arith.constant 0 : i32
      %dma_wait3A_87 = arith.constant 0 : i32
      %dma_wait3A_88 = tpu.memref_slice %arg6[%dma_wait3A, %dma_wait3A_86, %dma_wait3A_87] : memref<2x80x128xf32, #tpu.memory_space<vmem>> -> memref<1x80x128xf32, #tpu.memory_space<vmem>>
      %dma_wait3A_89 = tpu.memref_squeeze %dma_wait3A_88 : memref<1x80x128xf32, #tpu.memory_space<vmem>> -> memref<80x128xf32, #tpu.memory_space<vmem>>
      %dma_wait3A_90 = arith.constant 0 : i32
      %dma_wait3A_91 = tpu.memref_slice %arg7[%dma_wait3A_85, %dma_wait3A_90] : memref<4x80xi32, #tpu.memory_space<vmem>> -> memref<1x80xi32, #tpu.memory_space<vmem>>
      %dma_wait3A_92 = tpu.memref_squeeze %dma_wait3A_91 : memref<1x80xi32, #tpu.memory_space<vmem>> -> memref<80xi32, #tpu.memory_space<vmem>>
      %dma_wait3A_93 = arith.constant 0 : i32
      %dma_wait3A_94 = arith.constant 0 : i32
      %dma_wait3A_95 = tpu.memref_slice %arg10[%dma_wait3A_93, %dma_wait3A_94] : memref<64x128xf32, #tpu.memory_space<vmem_shared>> -> memref<64x128xf32, #tpu.memory_space<vmem_shared>>
      tpu.wait_indirect_dma semaphore(%arg15 : memref<!tpu.dma_semaphore, #tpu.memory_space<semaphore_mem>>) src(%dma_wait3A_89 : memref<80x128xf32, #tpu.memory_space<vmem>>) dst(%dma_wait3A_95 : memref<64x128xf32, #tpu.memory_space<vmem_shared>>)
      %dma_wait3A_96 = arith.constant 1 : i32
      %dma_wait3A_97 = arith.constant 0 : i32
      %dma_wait3A_98 = tpu.memref_slice %arg7[%dma_wait3A_96, %dma_wait3A_97] : memref<4x80xi32, #tpu.memory_space<vmem>> -> memref<1x80xi32, #tpu.memory_space<vmem>>
      %dma_wait3A_99 = tpu.memref_squeeze %dma_wait3A_98 : memref<1x80xi32, #tpu.memory_space<vmem>> -> memref<80xi32, #tpu.memory_space<vmem>>
      %dma_wait3A_100 = arith.constant 0 : i32
      %dma_wait3A_101 = arith.constant 0 : i32
      %dma_wait3A_102 = tpu.memref_slice %arg11[%dma_wait3A_100, %dma_wait3A_101] : memref<64x128xf32, #tpu.memory_space<vmem_shared>> -> memref<64x128xf32, #tpu.memory_space<vmem_shared>>
      tpu.wait_indirect_dma semaphore(%arg17 : memref<!tpu.dma_semaphore, #tpu.memory_space<semaphore_mem>>) src(%arg8 : memref<80x128xf32, #tpu.memory_space<vmem>>) dst(%dma_wait3A_102 : memref<64x128xf32, #tpu.memory_space<vmem_shared>>)
      %add3A_103 = arith.constant 96 : i32
      %add3A_104 = arith.addi %add3A_103, %add3A : i32
      %mul3A_105 = arith.constant 80 : i32
      %mul3A_106 = arith.muli %add3A_104, %mul3A_105 : i32
      %dma_start3A = arith.constant 1 : i32
      %dma_start3A_107 = arith.constant 0 : i32
      %dma_start3A_108 = arith.constant 0 : i32
      %dma_start3A_109 = tpu.memref_slice %arg6[%dma_start3A, %dma_start3A_107, %dma_start3A_108] : memref<2x80x128xf32, #tpu.memory_space<vmem>> -> memref<1x80x128xf32, #tpu.memory_space<vmem>>
      %dma_start3A_110 = tpu.memref_squeeze %dma_start3A_109 : memref<1x80x128xf32, #tpu.memory_space<vmem>> -> memref<80x128xf32, #tpu.memory_space<vmem>>
      %dma_start3A_111 = arith.constant 0 : i32
      %dma_start3A_112 = tpu.memref_slice %arg2[%mul3A_106, %dma_start3A_111] : memref<10000x128xf32, #tpu.memory_space<hbm>> -> memref<80x128xf32, #tpu.memory_space<hbm>>
      %dma_start3A_113 = arith.constant 0 : i32
      %dma_start3A_114 = arith.constant 0 : i32
      %dma_start3A_115 = tpu.memref_slice %arg6[%dma_start3A, %dma_start3A_113, %dma_start3A_114] : memref<2x80x128xf32, #tpu.memory_space<vmem>> -> memref<1x80x128xf32, #tpu.memory_space<vmem>>
      %dma_start3A_116 = tpu.memref_squeeze %dma_start3A_115 : memref<1x80x128xf32, #tpu.memory_space<vmem>> -> memref<80x128xf32, #tpu.memory_space<vmem>>
      %dma_start3A_117 = arith.constant 0 : i32
      %dma_start3A_118 = tpu.memref_slice %arg2[%mul3A_106, %dma_start3A_117] : memref<10000x128xf32, #tpu.memory_space<hbm>> -> memref<80x128xf32, #tpu.memory_space<hbm>>
      tpu.enqueue_dma source(%dma_start3A_118 : memref<80x128xf32, #tpu.memory_space<hbm>>) target(%dma_start3A_116 : memref<80x128xf32, #tpu.memory_space<vmem>>) target_semaphore(%arg13 : memref<!tpu.dma_semaphore, #tpu.memory_space<semaphore_mem>>)
      %add3A_119 = arith.constant 96 : i32
      %add3A_120 = arith.addi %add3A_119, %add3A : i32
      %mul3A_121 = arith.constant 80 : i32
      %mul3A_122 = arith.muli %add3A_120, %mul3A_121 : i32
      %dma_start3A_123 = arith.constant 3 : i32
      %dma_start3A_124 = arith.constant 0 : i32
      %dma_start3A_125 = tpu.memref_slice %arg7[%dma_start3A_123, %dma_start3A_124] : memref<4x80xi32, #tpu.memory_space<vmem>> -> memref<1x80xi32, #tpu.memory_space<vmem>>
      %dma_start3A_126 = tpu.memref_squeeze %dma_start3A_125 : memref<1x80xi32, #tpu.memory_space<vmem>> -> memref<80xi32, #tpu.memory_space<vmem>>
      %dma_start3A_127 = tpu.memref_slice %arg3[%mul3A_122] : memref<10000xi32, #tpu.memory_space<hbm>> -> memref<80xi32, #tpu.memory_space<hbm>>
      %dma_start3A_128 = arith.constant 0 : i32
      %dma_start3A_129 = tpu.memref_slice %arg7[%dma_start3A_123, %dma_start3A_128] : memref<4x80xi32, #tpu.memory_space<vmem>> -> memref<1x80xi32, #tpu.memory_space<vmem>>
      %dma_start3A_130 = tpu.memref_squeeze %dma_start3A_129 : memref<1x80xi32, #tpu.memory_space<vmem>> -> memref<80xi32, #tpu.memory_space<vmem>>
      %dma_start3A_131 = tpu.memref_slice %arg3[%mul3A_122] : memref<10000xi32, #tpu.memory_space<hbm>> -> memref<80xi32, #tpu.memory_space<hbm>>
      tpu.enqueue_dma source(%dma_start3A_131 : memref<80xi32, #tpu.memory_space<hbm>>) target(%dma_start3A_130 : memref<80xi32, #tpu.memory_space<vmem>>) target_semaphore(%arg13 : memref<!tpu.dma_semaphore, #tpu.memory_space<semaphore_mem>>)
    } else {
    }
    %add3A_58 = arith.constant 96 : i32
    %add3A_59 = arith.addi %add3A_58, %add3A : i32
    %lt3A_60 = arith.constant 125 : i32
    %lt3A_61 = arith.cmpi slt, %add3A_59, %lt3A_60 : i32
    %convert_element_type3A_62 = arith.extui %lt3A_61 : i1 to i32
    %cond3A_63 = arith.constant 0 : i32
    %cond3A_64 = arith.cmpi ne, %convert_element_type3A_62, %cond3A_63 : i32
    scf.if %cond3A_64 {
      %add3A_85 = arith.constant 96 : i32
      %add3A_86 = arith.addi %add3A_85, %add3A : i32
      %mul3A_87 = arith.constant 80 : i32
      %mul3A_88 = arith.muli %add3A_86, %mul3A_87 : i32
      %dma_wait3A = arith.constant 1 : i32
      %dma_wait3A_89 = arith.constant 0 : i32
      %dma_wait3A_90 = arith.constant 0 : i32
      %dma_wait3A_91 = tpu.memref_slice %arg6[%dma_wait3A, %dma_wait3A_89, %dma_wait3A_90] : memref<2x80x128xf32, #tpu.memory_space<vmem>> -> memref<1x80x128xf32, #tpu.memory_space<vmem>>
      %dma_wait3A_92 = tpu.memref_squeeze %dma_wait3A_91 : memref<1x80x128xf32, #tpu.memory_space<vmem>> -> memref<80x128xf32, #tpu.memory_space<vmem>>
      %dma_wait3A_93 = arith.constant 0 : i32
      %dma_wait3A_94 = tpu.memref_slice %arg2[%mul3A_88, %dma_wait3A_93] : memref<10000x128xf32, #tpu.memory_space<hbm>> -> memref<80x128xf32, #tpu.memory_space<hbm>>
      %dma_wait3A_95 = arith.constant 0 : i32
      %dma_wait3A_96 = arith.constant 0 : i32
      %dma_wait3A_97 = tpu.memref_slice %arg6[%dma_wait3A, %dma_wait3A_95, %dma_wait3A_96] : memref<2x80x128xf32, #tpu.memory_space<vmem>> -> memref<1x80x128xf32, #tpu.memory_space<vmem>>
      %dma_wait3A_98 = tpu.memref_squeeze %dma_wait3A_97 : memref<1x80x128xf32, #tpu.memory_space<vmem>> -> memref<80x128xf32, #tpu.memory_space<vmem>>
      %dma_wait3A_99 = arith.constant 0 : i32
      %dma_wait3A_100 = tpu.memref_slice %arg2[%mul3A_88, %dma_wait3A_99] : memref<10000x128xf32, #tpu.memory_space<hbm>> -> memref<80x128xf32, #tpu.memory_space<hbm>>
      tpu.wait_dma2 semaphore(%arg13 : memref<!tpu.dma_semaphore, #tpu.memory_space<semaphore_mem>>) src(%dma_wait3A_100 : memref<80x128xf32, #tpu.memory_space<hbm>>) dst(%dma_wait3A_98 : memref<80x128xf32, #tpu.memory_space<vmem>>)
      %add3A_101 = arith.constant 96 : i32
      %add3A_102 = arith.addi %add3A_101, %add3A : i32
      %mul3A_103 = arith.constant 80 : i32
      %mul3A_104 = arith.muli %add3A_102, %mul3A_103 : i32
      %dma_wait3A_105 = arith.constant 3 : i32
      %dma_wait3A_106 = arith.constant 0 : i32
      %dma_wait3A_107 = tpu.memref_slice %arg7[%dma_wait3A_105, %dma_wait3A_106] : memref<4x80xi32, #tpu.memory_space<vmem>> -> memref<1x80xi32, #tpu.memory_space<vmem>>
      %dma_wait3A_108 = tpu.memref_squeeze %dma_wait3A_107 : memref<1x80xi32, #tpu.memory_space<vmem>> -> memref<80xi32, #tpu.memory_space<vmem>>
      %dma_wait3A_109 = tpu.memref_slice %arg3[%mul3A_104] : memref<10000xi32, #tpu.memory_space<hbm>> -> memref<80xi32, #tpu.memory_space<hbm>>
      %dma_wait3A_110 = arith.constant 0 : i32
      %dma_wait3A_111 = tpu.memref_slice %arg7[%dma_wait3A_105, %dma_wait3A_110] : memref<4x80xi32, #tpu.memory_space<vmem>> -> memref<1x80xi32, #tpu.memory_space<vmem>>
      %dma_wait3A_112 = tpu.memref_squeeze %dma_wait3A_111 : memref<1x80xi32, #tpu.memory_space<vmem>> -> memref<80xi32, #tpu.memory_space<vmem>>
      %dma_wait3A_113 = tpu.memref_slice %arg3[%mul3A_104] : memref<10000xi32, #tpu.memory_space<hbm>> -> memref<80xi32, #tpu.memory_space<hbm>>
      tpu.wait_dma2 semaphore(%arg13 : memref<!tpu.dma_semaphore, #tpu.memory_space<semaphore_mem>>) src(%dma_wait3A_113 : memref<80xi32, #tpu.memory_space<hbm>>) dst(%dma_wait3A_112 : memref<80xi32, #tpu.memory_space<vmem>>)
      %dma_start3A = arith.constant 1 : i32
      %dma_start3A_114 = arith.constant 3 : i32
      %dma_start3A_115 = arith.constant 0 : i32
      %dma_start3A_116 = arith.constant 0 : i32
      %dma_start3A_117 = tpu.memref_slice %arg6[%dma_start3A, %dma_start3A_115, %dma_start3A_116] : memref<2x80x128xf32, #tpu.memory_space<vmem>> -> memref<1x80x128xf32, #tpu.memory_space<vmem>>
      %dma_start3A_118 = tpu.memref_squeeze %dma_start3A_117 : memref<1x80x128xf32, #tpu.memory_space<vmem>> -> memref<80x128xf32, #tpu.memory_space<vmem>>
      %dma_start3A_119 = arith.constant 0 : i32
      %dma_start3A_120 = tpu.memref_slice %arg7[%dma_start3A_114, %dma_start3A_119] : memref<4x80xi32, #tpu.memory_space<vmem>> -> memref<1x80xi32, #tpu.memory_space<vmem>>
      %dma_start3A_121 = tpu.memref_squeeze %dma_start3A_120 : memref<1x80xi32, #tpu.memory_space<vmem>> -> memref<80xi32, #tpu.memory_space<vmem>>
      %dma_start3A_122 = arith.constant 0 : i32
      %dma_start3A_123 = arith.constant 0 : i32
      %dma_start3A_124 = tpu.memref_slice %arg10[%dma_start3A_122, %dma_start3A_123] : memref<64x128xf32, #tpu.memory_space<vmem_shared>> -> memref<64x128xf32, #tpu.memory_space<vmem_shared>>
      tpu.enqueue_indirect_dma source(%dma_start3A_118 : memref<80x128xf32, #tpu.memory_space<vmem>>) target(%dma_start3A_124 : memref<64x128xf32, #tpu.memory_space<vmem_shared>>) offsets(%dma_start3A_121 : memref<80xi32, #tpu.memory_space<vmem>>) semaphore(%arg15 : memref<!tpu.dma_semaphore, #tpu.memory_space<semaphore_mem>>) {add = true}
      %dma_start3A_125 = arith.constant 3 : i32
      %dma_start3A_126 = arith.constant 0 : i32
      %dma_start3A_127 = tpu.memref_slice %arg7[%dma_start3A_125, %dma_start3A_126] : memref<4x80xi32, #tpu.memory_space<vmem>> -> memref<1x80xi32, #tpu.memory_space<vmem>>
      %dma_start3A_128 = tpu.memref_squeeze %dma_start3A_127 : memref<1x80xi32, #tpu.memory_space<vmem>> -> memref<80xi32, #tpu.memory_space<vmem>>
      %dma_start3A_129 = arith.constant 0 : i32
      %dma_start3A_130 = arith.constant 0 : i32
      %dma_start3A_131 = tpu.memref_slice %arg11[%dma_start3A_129, %dma_start3A_130] : memref<64x128xf32, #tpu.memory_space<vmem_shared>> -> memref<64x128xf32, #tpu.memory_space<vmem_shared>>
      tpu.enqueue_indirect_dma source(%arg8 : memref<80x128xf32, #tpu.memory_space<vmem>>) target(%dma_start3A_131 : memref<64x128xf32, #tpu.memory_space<vmem_shared>>) offsets(%dma_start3A_128 : memref<80xi32, #tpu.memory_space<vmem>>) semaphore(%arg17 : memref<!tpu.dma_semaphore, #tpu.memory_space<semaphore_mem>>) {add = true}
    } else {
    }
    %add3A_65 = arith.constant 64 : i32
    %add3A_66 = arith.addi %add3A_65, %add3A : i32
    %lt3A_67 = arith.constant 125 : i32
    %lt3A_68 = arith.cmpi slt, %add3A_66, %lt3A_67 : i32
    %convert_element_type3A_69 = arith.extui %lt3A_68 : i1 to i32
    %cond3A_70 = arith.constant 0 : i32
    %cond3A_71 = arith.cmpi ne, %convert_element_type3A_69, %cond3A_70 : i32
    scf.if %cond3A_71 {
      %dma_wait3A = arith.constant 0 : i32
      %dma_wait3A_85 = arith.constant 2 : i32
      %dma_wait3A_86 = arith.constant 0 : i32
      %dma_wait3A_87 = arith.constant 0 : i32
      %dma_wait3A_88 = tpu.memref_slice %arg6[%dma_wait3A, %dma_wait3A_86, %dma_wait3A_87] : memref<2x80x128xf32, #tpu.memory_space<vmem>> -> memref<1x80x128xf32, #tpu.memory_space<vmem>>
      %dma_wait3A_89 = tpu.memref_squeeze %dma_wait3A_88 : memref<1x80x128xf32, #tpu.memory_space<vmem>> -> memref<80x128xf32, #tpu.memory_space<vmem>>
      %dma_wait3A_90 = arith.constant 0 : i32
      %dma_wait3A_91 = tpu.memref_slice %arg7[%dma_wait3A_85, %dma_wait3A_90] : memref<4x80xi32, #tpu.memory_space<vmem>> -> memref<1x80xi32, #tpu.memory_space<vmem>>
      %dma_wait3A_92 = tpu.memref_squeeze %dma_wait3A_91 : memref<1x80xi32, #tpu.memory_space<vmem>> -> memref<80xi32, #tpu.memory_space<vmem>>
      %dma_wait3A_93 = arith.constant 0 : i32
      %dma_wait3A_94 = arith.constant 0 : i32
      %dma_wait3A_95 = tpu.memref_slice %arg10[%dma_wait3A_93, %dma_wait3A_94] : memref<64x128xf32, #tpu.memory_space<vmem_shared>> -> memref<64x128xf32, #tpu.memory_space<vmem_shared>>
      tpu.wait_indirect_dma semaphore(%arg14 : memref<!tpu.dma_semaphore, #tpu.memory_space<semaphore_mem>>) src(%dma_wait3A_89 : memref<80x128xf32, #tpu.memory_space<vmem>>) dst(%dma_wait3A_95 : memref<64x128xf32, #tpu.memory_space<vmem_shared>>)
      %dma_wait3A_96 = arith.constant 2 : i32
      %dma_wait3A_97 = arith.constant 0 : i32
      %dma_wait3A_98 = tpu.memref_slice %arg7[%dma_wait3A_96, %dma_wait3A_97] : memref<4x80xi32, #tpu.memory_space<vmem>> -> memref<1x80xi32, #tpu.memory_space<vmem>>
      %dma_wait3A_99 = tpu.memref_squeeze %dma_wait3A_98 : memref<1x80xi32, #tpu.memory_space<vmem>> -> memref<80xi32, #tpu.memory_space<vmem>>
      %dma_wait3A_100 = arith.constant 0 : i32
      %dma_wait3A_101 = arith.constant 0 : i32
      %dma_wait3A_102 = tpu.memref_slice %arg11[%dma_wait3A_100, %dma_wait3A_101] : memref<64x128xf32, #tpu.memory_space<vmem_shared>> -> memref<64x128xf32, #tpu.memory_space<vmem_shared>>
      tpu.wait_indirect_dma semaphore(%arg16 : memref<!tpu.dma_semaphore, #tpu.memory_space<semaphore_mem>>) src(%arg8 : memref<80x128xf32, #tpu.memory_space<vmem>>) dst(%dma_wait3A_102 : memref<64x128xf32, #tpu.memory_space<vmem_shared>>)
    } else {
    }
    %add3A_72 = arith.constant 96 : i32
    %add3A_73 = arith.addi %add3A_72, %add3A : i32
    %lt3A_74 = arith.constant 125 : i32
    %lt3A_75 = arith.cmpi slt, %add3A_73, %lt3A_74 : i32
    %convert_element_type3A_76 = arith.extui %lt3A_75 : i1 to i32
    %cond3A_77 = arith.constant 0 : i32
    %cond3A_78 = arith.cmpi ne, %convert_element_type3A_76, %cond3A_77 : i32
    scf.if %cond3A_78 {
      %dma_wait3A = arith.constant 1 : i32
      %dma_wait3A_85 = arith.constant 3 : i32
      %dma_wait3A_86 = arith.constant 0 : i32
      %dma_wait3A_87 = arith.constant 0 : i32
      %dma_wait3A_88 = tpu.memref_slice %arg6[%dma_wait3A, %dma_wait3A_86, %dma_wait3A_87] : memref<2x80x128xf32, #tpu.memory_space<vmem>> -> memref<1x80x128xf32, #tpu.memory_space<vmem>>
      %dma_wait3A_89 = tpu.memref_squeeze %dma_wait3A_88 : memref<1x80x128xf32, #tpu.memory_space<vmem>> -> memref<80x128xf32, #tpu.memory_space<vmem>>
      %dma_wait3A_90 = arith.constant 0 : i32
      %dma_wait3A_91 = tpu.memref_slice %arg7[%dma_wait3A_85, %dma_wait3A_90] : memref<4x80xi32, #tpu.memory_space<vmem>> -> memref<1x80xi32, #tpu.memory_space<vmem>>
      %dma_wait3A_92 = tpu.memref_squeeze %dma_wait3A_91 : memref<1x80xi32, #tpu.memory_space<vmem>> -> memref<80xi32, #tpu.memory_space<vmem>>
      %dma_wait3A_93 = arith.constant 0 : i32
      %dma_wait3A_94 = arith.constant 0 : i32
      %dma_wait3A_95 = tpu.memref_slice %arg10[%dma_wait3A_93, %dma_wait3A_94] : memref<64x128xf32, #tpu.memory_space<vmem_shared>> -> memref<64x128xf32, #tpu.memory_space<vmem_shared>>
      tpu.wait_indirect_dma semaphore(%arg15 : memref<!tpu.dma_semaphore, #tpu.memory_space<semaphore_mem>>) src(%dma_wait3A_89 : memref<80x128xf32, #tpu.memory_space<vmem>>) dst(%dma_wait3A_95 : memref<64x128xf32, #tpu.memory_space<vmem_shared>>)
      %dma_wait3A_96 = arith.constant 3 : i32
      %dma_wait3A_97 = arith.constant 0 : i32
      %dma_wait3A_98 = tpu.memref_slice %arg7[%dma_wait3A_96, %dma_wait3A_97] : memref<4x80xi32, #tpu.memory_space<vmem>> -> memref<1x80xi32, #tpu.memory_space<vmem>>
      %dma_wait3A_99 = tpu.memref_squeeze %dma_wait3A_98 : memref<1x80xi32, #tpu.memory_space<vmem>> -> memref<80xi32, #tpu.memory_space<vmem>>
      %dma_wait3A_100 = arith.constant 0 : i32
      %dma_wait3A_101 = arith.constant 0 : i32
      %dma_wait3A_102 = tpu.memref_slice %arg11[%dma_wait3A_100, %dma_wait3A_101] : memref<64x128xf32, #tpu.memory_space<vmem_shared>> -> memref<64x128xf32, #tpu.memory_space<vmem_shared>>
      tpu.wait_indirect_dma semaphore(%arg17 : memref<!tpu.dma_semaphore, #tpu.memory_space<semaphore_mem>>) src(%arg8 : memref<80x128xf32, #tpu.memory_space<vmem>>) dst(%dma_wait3A_102 : memref<64x128xf32, #tpu.memory_space<vmem_shared>>)
    } else {
    }
    %barrier3A_79 = arith.constant 0 : index
    tpu.barrier barrier_id(%barrier3A_79)
    %eq3A_80 = arith.constant 0 : i32
    %eq3A_81 = arith.cmpi eq, %arg1, %eq3A_80 : i32
    %convert_element_type3A_82 = arith.extui %eq3A_81 : i1 to i32
    %cond3A_83 = arith.constant 0 : i32
    %cond3A_84 = arith.cmpi ne, %convert_element_type3A_82, %cond3A_83 : i32
    scf.if %cond3A_84 {
      "tpu.region"() ({
        %run_scoped3A = tpu.sem_alloc : memref<!tpu.dma_semaphore, #tpu.memory_space<semaphore_mem>>
        %dma_start3A = arith.constant 0 : i32
        %dma_start3A_85 = arith.constant 0 : i32
        %dma_start3A_86 = tpu.memref_slice %arg4[%arg0, %dma_start3A, %dma_start3A_85] : memref<2x64x128xf32, #tpu.memory_space<hbm>> -> memref<1x64x128xf32, #tpu.memory_space<hbm>>
        %dma_start3A_87 = tpu.memref_squeeze %dma_start3A_86 : memref<1x64x128xf32, #tpu.memory_space<hbm>> -> memref<64x128xf32, #tpu.memory_space<hbm>>
        tpu.enqueue_dma source(%arg10 : memref<64x128xf32, #tpu.memory_space<vmem_shared>>) target(%dma_start3A_87 : memref<64x128xf32, #tpu.memory_space<hbm>>) target_semaphore(%run_scoped3A : memref<!tpu.dma_semaphore, #tpu.memory_space<semaphore_mem>>)
        %dma_wait3A = arith.constant 0 : i32
        %dma_wait3A_88 = arith.constant 0 : i32
        %dma_wait3A_89 = tpu.memref_slice %arg4[%arg0, %dma_wait3A, %dma_wait3A_88] : memref<2x64x128xf32, #tpu.memory_space<hbm>> -> memref<1x64x128xf32, #tpu.memory_space<hbm>>
        %dma_wait3A_90 = tpu.memref_squeeze %dma_wait3A_89 : memref<1x64x128xf32, #tpu.memory_space<hbm>> -> memref<64x128xf32, #tpu.memory_space<hbm>>
        tpu.wait_dma2 semaphore(%run_scoped3A : memref<!tpu.dma_semaphore, #tpu.memory_space<semaphore_mem>>) src(%arg10 : memref<64x128xf32, #tpu.memory_space<vmem_shared>>) dst(%dma_wait3A_90 : memref<64x128xf32, #tpu.memory_space<hbm>>)
        tpu.yield
      }) : () -> ()
      "tpu.region"() ({
        %run_scoped3A = tpu.sem_alloc : memref<!tpu.dma_semaphore, #tpu.memory_space<semaphore_mem>>
        %dma_start3A = arith.constant 0 : i32
        %dma_start3A_85 = arith.constant 0 : i32
        %dma_start3A_86 = tpu.memref_slice %arg5[%arg0, %dma_start3A, %dma_start3A_85] : memref<2x64x128xf32, #tpu.memory_space<hbm>> -> memref<1x64x128xf32, #tpu.memory_space<hbm>>
        %dma_start3A_87 = tpu.memref_squeeze %dma_start3A_86 : memref<1x64x128xf32, #tpu.memory_space<hbm>> -> memref<64x128xf32, #tpu.memory_space<hbm>>
        tpu.enqueue_dma source(%arg11 : memref<64x128xf32, #tpu.memory_space<vmem_shared>>) target(%dma_start3A_87 : memref<64x128xf32, #tpu.memory_space<hbm>>) target_semaphore(%run_scoped3A : memref<!tpu.dma_semaphore, #tpu.memory_space<semaphore_mem>>)
        %dma_wait3A = arith.constant 0 : i32
        %dma_wait3A_88 = arith.constant 0 : i32
        %dma_wait3A_89 = tpu.memref_slice %arg5[%arg0, %dma_wait3A, %dma_wait3A_88] : memref<2x64x128xf32, #tpu.memory_space<hbm>> -> memref<1x64x128xf32, #tpu.memory_space<hbm>>
        %dma_wait3A_90 = tpu.memref_squeeze %dma_wait3A_89 : memref<1x64x128xf32, #tpu.memory_space<hbm>> -> memref<64x128xf32, #tpu.memory_space<hbm>>
        tpu.wait_dma2 semaphore(%run_scoped3A : memref<!tpu.dma_semaphore, #tpu.memory_space<semaphore_mem>>) src(%arg11 : memref<64x128xf32, #tpu.memory_space<vmem_shared>>) dst(%dma_wait3A_90 : memref<64x128xf32, #tpu.memory_space<hbm>>)
        tpu.yield
      }) : () -> ()
    } else {
    }
    return
  }
}

module attributes {stable_mosaic.version = 14 : i64} {
  func.func @_fused_body(%arg0: memref<2x64x128xf32, #tpu.memory_space<vmem>>, %arg1: memref<2x64x128xf32, #tpu.memory_space<vmem>>, %arg2: memref<64x128xf32, #tpu.memory_space<vmem>>, %arg3: memref<128x128xf32, #tpu.memory_space<vmem>>, %arg4: memref<128xf32, #tpu.memory_space<vmem>>, %arg5: memref<64x256xf32, #tpu.memory_space<vmem>>) attributes {dimension_semantics = [], scalar_prefetch = 0 : i64, scratch_operands = 0 : i64, tpu.core_type = #tpu.core_type<tc>} {
    %get3A = arith.constant 0 : index
    %get3A_0 = arith.constant 0 : index
    %get3A_1 = arith.constant 0 : index
    %get3A_2 = vector.load %arg0[%get3A, %get3A_0, %get3A_1] : memref<2x64x128xf32, #tpu.memory_space<vmem>>, vector<1x64x128xf32>
    %get3A_3 = vector.shape_cast %get3A_2 : vector<1x64x128xf32> to vector<64x128xf32>
    %get3A_4 = arith.constant 1 : index
    %get3A_5 = arith.constant 0 : index
    %get3A_6 = arith.constant 0 : index
    %get3A_7 = vector.load %arg0[%get3A_4, %get3A_5, %get3A_6] : memref<2x64x128xf32, #tpu.memory_space<vmem>>, vector<1x64x128xf32>
    %get3A_8 = vector.shape_cast %get3A_7 : vector<1x64x128xf32> to vector<64x128xf32>
    %add3A = arith.addf %get3A_3, %get3A_8 : vector<64x128xf32>
    %get3A_9 = arith.constant 0 : index
    %get3A_10 = arith.constant 0 : index
    %get3A_11 = arith.constant 0 : index
    %get3A_12 = vector.load %arg1[%get3A_9, %get3A_10, %get3A_11] : memref<2x64x128xf32, #tpu.memory_space<vmem>>, vector<1x64x1xf32>
    %get3A_13 = vector.shape_cast %get3A_12 : vector<1x64x1xf32> to vector<64x1xf32>
    %get3A_14 = arith.constant 1 : index
    %get3A_15 = arith.constant 0 : index
    %get3A_16 = arith.constant 0 : index
    %get3A_17 = vector.load %arg1[%get3A_14, %get3A_15, %get3A_16] : memref<2x64x128xf32, #tpu.memory_space<vmem>>, vector<1x64x1xf32>
    %get3A_18 = vector.shape_cast %get3A_17 : vector<1x64x1xf32> to vector<64x1xf32>
    %add3A_19 = arith.addf %get3A_13, %get3A_18 : vector<64x1xf32>
    %max3A = arith.constant 1.000000e+00 : f32
    %max3A_20 = vector.broadcast %max3A : f32 to vector<64x1xf32>
    %max3A_21 = arith.maximumf %add3A_19, %max3A_20 : vector<64x1xf32>
    %div3A = vector.broadcast %max3A_21 : vector<64x1xf32> to vector<64x128xf32>
    %div3A_22 = arith.divf %add3A, %div3A : vector<64x128xf32>
    %get3A_23 = arith.constant 0 : index
    %get3A_24 = arith.constant 0 : index
    %get3A_25 = vector.load %arg2[%get3A_23, %get3A_24] : memref<64x128xf32, #tpu.memory_space<vmem>>, vector<64x128xf32>
    %get3A_26 = arith.constant 0 : index
    %get3A_27 = arith.constant 0 : index
    %get3A_28 = vector.load %arg3[%get3A_26, %get3A_27] : memref<128x128xf32, #tpu.memory_space<vmem>>, vector<128x128xf32>
    %dot_general3A = arith.constant dense<0.000000e+00> : vector<64x128xf32>
    %dot_general3A_29 = tpu.matmul %get3A_25, %get3A_28, %dot_general3A {dimension_numbers = #tpu.dot_dimension_numbers<[1], [0], [0], [1], [0, 0, 1, 1], [], []>, transpose_lhs_hint = false} : vector<64x128xf32>, vector<128x128xf32>, vector<64x128xf32> -> vector<64x128xf32>
    %get3A_30 = arith.constant 0 : index
    %get3A_31 = vector.load %arg4[%get3A_30] : memref<128xf32, #tpu.memory_space<vmem>>, vector<128xf32>
    %broadcast_in_dim3A = vector.shape_cast %get3A_31 : vector<128xf32> to vector<1x128xf32>
    %add3A_32 = vector.broadcast %broadcast_in_dim3A : vector<1x128xf32> to vector<64x128xf32>
    %add3A_33 = arith.addf %dot_general3A_29, %add3A_32 : vector<64x128xf32>
    %max3A_34 = arith.constant 0.000000e+00 : f32
    %max3A_35 = vector.broadcast %max3A_34 : f32 to vector<64x128xf32>
    %max3A_36 = arith.maximumf %add3A_33, %max3A_35 : vector<64x128xf32>
    %concatenate3A = tpu.concatenate %div3A_22, %max3A_36 in 1 : vector<64x128xf32>, vector<64x128xf32> -> vector<64x256xf32>
    %swap3A = arith.constant 0 : index
    %swap3A_37 = arith.constant 0 : index
    %swap3A_38 = vector.load %arg5[%swap3A, %swap3A_37] : memref<64x256xf32, #tpu.memory_space<vmem>>, vector<64x256xf32>
    tpu.vector_store %arg5[%swap3A, %swap3A_37], %concatenate3A {strides = array<i32>} : memref<64x256xf32, #tpu.memory_space<vmem>>, vector<64x256xf32>,
    return
  }
}

module attributes {stable_mosaic.version = 14 : i64} {
  func.func @_gru_body(%arg0: i32, %arg1: memref<5000x128xf32, #tpu.memory_space<vmem>>, %arg2: memref<5000x128xf32, #tpu.memory_space<vmem>>, %arg3: memref<5000x128xf32, #tpu.memory_space<vmem>>, %arg4: memref<128x128xf32, #tpu.memory_space<vmem>>, %arg5: memref<128xf32, #tpu.memory_space<vmem>>, %arg6: memref<256x128xf32, #tpu.memory_space<vmem>>, %arg7: memref<128xf32, #tpu.memory_space<vmem>>, %arg8: memref<128x128xf32, #tpu.memory_space<vmem>>, %arg9: memref<128xf32, #tpu.memory_space<vmem>>, %arg10: memref<256x128xf32, #tpu.memory_space<vmem>>, %arg11: memref<128xf32, #tpu.memory_space<vmem>>, %arg12: memref<128x128xf32, #tpu.memory_space<vmem>>, %arg13: memref<128xf32, #tpu.memory_space<vmem>>, %arg14: memref<256x128xf32, #tpu.memory_space<vmem>>, %arg15: memref<128xf32, #tpu.memory_space<vmem>>, %arg16: memref<128x128xf32, #tpu.memory_space<vmem>>, %arg17: memref<128xf32, #tpu.memory_space<vmem>>, %arg18: memref<5000x128xf32, #tpu.memory_space<vmem>>, %arg19: memref<256x384xf32, #tpu.memory_space<vmem>>, %arg20: memref<128x256xf32, #tpu.memory_space<vmem>>) attributes {dimension_semantics = [#tpu.dimension_semantics<arbitrary>], iteration_bounds = array<i64: 2>, scalar_prefetch = 0 : i64, scratch_operands = 2 : i64, tpu.core_type = #tpu.core_type<tc>, window_params = [{transform_indices = @transform_0, window_bounds = array<i64: 5000, 128>}, {transform_indices = @transform_1, window_bounds = array<i64: 5000, 128>}, {transform_indices = @transform_2, window_bounds = array<i64: 5000, 128>}, {pipeline_mode = #tpu.pipeline_mode<synchronous>, transform_indices = @transform_3, window_bounds = array<i64: 128, 128>}, {pipeline_mode = #tpu.pipeline_mode<synchronous>, transform_indices = @transform_4, window_bounds = array<i64: 128>}, {pipeline_mode = #tpu.pipeline_mode<synchronous>, transform_indices = @transform_5, window_bounds = array<i64: 256, 128>}, {pipeline_mode = #tpu.pipeline_mode<synchronous>, transform_indices = @transform_6, window_bounds = array<i64: 128>}, {pipeline_mode = #tpu.pipeline_mode<synchronous>, transform_indices = @transform_7, window_bounds = array<i64: 128, 128>}, {pipeline_mode = #tpu.pipeline_mode<synchronous>, transform_indices = @transform_8, window_bounds = array<i64: 128>}, {pipeline_mode = #tpu.pipeline_mode<synchronous>, transform_indices = @transform_9, window_bounds = array<i64: 256, 128>}, {pipeline_mode = #tpu.pipeline_mode<synchronous>, transform_indices = @transform_10, window_bounds = array<i64: 128>}, {pipeline_mode = #tpu.pipeline_mode<synchronous>, transform_indices = @transform_11, window_bounds = array<i64: 128, 128>}, {pipeline_mode = #tpu.pipeline_mode<synchronous>, transform_indices = @transform_12, window_bounds = array<i64: 128>}, {pipeline_mode = #tpu.pipeline_mode<synchronous>, transform_indices = @transform_13, window_bounds = array<i64: 256, 128>}, {pipeline_mode = #tpu.pipeline_mode<synchronous>, transform_indices = @transform_14, window_bounds = array<i64: 128>}, {pipeline_mode = #tpu.pipeline_mode<synchronous>, transform_indices = @transform_15, window_bounds = array<i64: 128, 128>}, {pipeline_mode = #tpu.pipeline_mode<synchronous>, transform_indices = @transform_16, window_bounds = array<i64: 128>}, {transform_indices = @transform_17, window_bounds = array<i64: 5000, 128>}]} {
    %eq3A = arith.constant 0 : i32
    %eq3A_0 = arith.cmpi eq, %arg0, %eq3A : i32
    %convert_element_type3A = arith.extui %eq3A_0 : i1 to i32
    %cond3A = arith.constant 0 : i32
    %cond3A_1 = arith.cmpi ne, %convert_element_type3A, %cond3A : i32
    scf.if %cond3A_1 {
      %get3A_83 = arith.constant 0 : index
      %get3A_84 = arith.constant 0 : index
      %get3A_85 = vector.load %arg6[%get3A_83, %get3A_84] : memref<256x128xf32, #tpu.memory_space<vmem>>, vector<256x128xf32>
      %swap3A_86 = arith.constant 0 : index
      %swap3A_87 = arith.constant 0 : index
      %swap3A_88 = vector.load %arg19[%swap3A_86, %swap3A_87] : memref<256x384xf32, #tpu.memory_space<vmem>>, vector<256x128xf32>
      tpu.vector_store %arg19[%swap3A_86, %swap3A_87], %get3A_85 {strides = array<i32>} : memref<256x384xf32, #tpu.memory_space<vmem>>, vector<256x128xf32>,
      %get3A_89 = arith.constant 0 : index
      %get3A_90 = arith.constant 0 : index
      %get3A_91 = vector.load %arg10[%get3A_89, %get3A_90] : memref<256x128xf32, #tpu.memory_space<vmem>>, vector<256x128xf32>
      %swap3A_92 = arith.constant 0 : index
      %swap3A_93 = arith.constant 128 : index
      %swap3A_94 = vector.load %arg19[%swap3A_92, %swap3A_93] : memref<256x384xf32, #tpu.memory_space<vmem>>, vector<256x128xf32>
      tpu.vector_store %arg19[%swap3A_92, %swap3A_93], %get3A_91 {strides = array<i32>} : memref<256x384xf32, #tpu.memory_space<vmem>>, vector<256x128xf32>,
      %get3A_95 = arith.constant 0 : index
      %get3A_96 = arith.constant 0 : index
      %get3A_97 = vector.load %arg14[%get3A_95, %get3A_96] : memref<256x128xf32, #tpu.memory_space<vmem>>, vector<256x128xf32>
      %swap3A_98 = arith.constant 0 : index
      %swap3A_99 = arith.constant 256 : index
      %swap3A_100 = vector.load %arg19[%swap3A_98, %swap3A_99] : memref<256x384xf32, #tpu.memory_space<vmem>>, vector<256x128xf32>
      tpu.vector_store %arg19[%swap3A_98, %swap3A_99], %get3A_97 {strides = array<i32>} : memref<256x384xf32, #tpu.memory_space<vmem>>, vector<256x128xf32>,
      %get3A_101 = arith.constant 0 : index
      %get3A_102 = arith.constant 0 : index
      %get3A_103 = vector.load %arg8[%get3A_101, %get3A_102] : memref<128x128xf32, #tpu.memory_space<vmem>>, vector<128x128xf32>
      %swap3A_104 = arith.constant 0 : index
      %swap3A_105 = arith.constant 0 : index
      %swap3A_106 = vector.load %arg20[%swap3A_104, %swap3A_105] : memref<128x256xf32, #tpu.memory_space<vmem>>, vector<128x128xf32>
      tpu.vector_store %arg20[%swap3A_104, %swap3A_105], %get3A_103 {strides = array<i32>} : memref<128x256xf32, #tpu.memory_space<vmem>>, vector<128x128xf32>,
      %get3A_107 = arith.constant 0 : index
      %get3A_108 = arith.constant 0 : index
      %get3A_109 = vector.load %arg12[%get3A_107, %get3A_108] : memref<128x128xf32, #tpu.memory_space<vmem>>, vector<128x128xf32>
      %swap3A_110 = arith.constant 0 : index
      %swap3A_111 = arith.constant 128 : index
      %swap3A_112 = vector.load %arg20[%swap3A_110, %swap3A_111] : memref<128x256xf32, #tpu.memory_space<vmem>>, vector<128x128xf32>
      tpu.vector_store %arg20[%swap3A_110, %swap3A_111], %get3A_109 {strides = array<i32>} : memref<128x256xf32, #tpu.memory_space<vmem>>, vector<128x128xf32>,
    } else {
    }
    %get3A = arith.constant 0 : index
    %get3A_2 = arith.constant 0 : index
    %get3A_3 = vector.load %arg1[%get3A, %get3A_2] : memref<5000x128xf32, #tpu.memory_space<vmem>>, vector<5000x128xf32>
    %get3A_4 = arith.constant 0 : index
    %get3A_5 = arith.constant 0 : index
    %get3A_6 = vector.load %arg3[%get3A_4, %get3A_5] : memref<5000x128xf32, #tpu.memory_space<vmem>>, vector<5000x128xf32>
    %get3A_7 = arith.constant 0 : index
    %get3A_8 = arith.constant 0 : index
    %get3A_9 = vector.load %arg2[%get3A_7, %get3A_8] : memref<5000x128xf32, #tpu.memory_space<vmem>>, vector<5000x128xf32>
    %get3A_10 = arith.constant 0 : index
    %get3A_11 = arith.constant 0 : index
    %get3A_12 = vector.load %arg4[%get3A_10, %get3A_11] : memref<128x128xf32, #tpu.memory_space<vmem>>, vector<128x128xf32>
    %dot_general3A = arith.constant dense<0.000000e+00> : vector<5000x128xf32>
    %dot_general3A_13 = tpu.matmul %get3A_9, %get3A_12, %dot_general3A {dimension_numbers = #tpu.dot_dimension_numbers<[1], [0], [0], [1], [0, 0, 1, 1], [], []>, transpose_lhs_hint = false} : vector<5000x128xf32>, vector<128x128xf32>, vector<5000x128xf32> -> vector<5000x128xf32>
    %get3A_14 = arith.constant 0 : index
    %get3A_15 = vector.load %arg5[%get3A_14] : memref<128xf32, #tpu.memory_space<vmem>>, vector<128xf32>
    %broadcast_in_dim3A = vector.shape_cast %get3A_15 : vector<128xf32> to vector<1x128xf32>
    %add3A = vector.broadcast %broadcast_in_dim3A : vector<1x128xf32> to vector<5000x128xf32>
    %add3A_16 = arith.addf %dot_general3A_13, %add3A : vector<5000x128xf32>
    %max3A = arith.constant 0.000000e+00 : f32
    %max3A_17 = vector.broadcast %max3A : f32 to vector<5000x128xf32>
    %max3A_18 = arith.maximumf %add3A_16, %max3A_17 : vector<5000x128xf32>
    %concatenate3A = tpu.concatenate %get3A_3, %max3A_18 in 1 : vector<5000x128xf32>, vector<5000x128xf32> -> vector<5000x256xf32>
    %get3A_19 = arith.constant 0 : index
    %get3A_20 = arith.constant 0 : index
    %get3A_21 = vector.load %arg19[%get3A_19, %get3A_20] : memref<256x384xf32, #tpu.memory_space<vmem>>, vector<256x384xf32>
    %dot_general3A_22 = arith.constant dense<0.000000e+00> : vector<5000x384xf32>
    %dot_general3A_23 = tpu.matmul %concatenate3A, %get3A_21, %dot_general3A_22 {dimension_numbers = #tpu.dot_dimension_numbers<[1], [0], [0], [1], [0, 0, 1, 1], [], []>, transpose_lhs_hint = false} : vector<5000x256xf32>, vector<256x384xf32>, vector<5000x384xf32> -> vector<5000x384xf32>
    %get3A_24 = arith.constant 0 : index
    %get3A_25 = arith.constant 0 : index
    %get3A_26 = vector.load %arg20[%get3A_24, %get3A_25] : memref<128x256xf32, #tpu.memory_space<vmem>>, vector<128x256xf32>
    %dot_general3A_27 = arith.constant dense<0.000000e+00> : vector<5000x256xf32>
    %dot_general3A_28 = tpu.matmul %get3A_6, %get3A_26, %dot_general3A_27 {dimension_numbers = #tpu.dot_dimension_numbers<[1], [0], [0], [1], [0, 0, 1, 1], [], []>, transpose_lhs_hint = false} : vector<5000x128xf32>, vector<128x256xf32>, vector<5000x256xf32> -> vector<5000x256xf32>
    %slice3A = vector.extract_strided_slice %dot_general3A_23 {offsets = [0, 0], sizes = [5000, 128], strides = [1, 1]} : vector<5000x384xf32> to vector<5000x128xf32>
    %slice3A_29 = vector.extract_strided_slice %dot_general3A_28 {offsets = [0, 0], sizes = [5000, 128], strides = [1, 1]} : vector<5000x256xf32> to vector<5000x128xf32>
    %add3A_30 = arith.addf %slice3A, %slice3A_29 : vector<5000x128xf32>
    %get3A_31 = arith.constant 0 : index
    %get3A_32 = vector.load %arg7[%get3A_31] : memref<128xf32, #tpu.memory_space<vmem>>, vector<128xf32>
    %get3A_33 = arith.constant 0 : index
    %get3A_34 = vector.load %arg9[%get3A_33] : memref<128xf32, #tpu.memory_space<vmem>>, vector<128xf32>
    %add3A_35 = arith.addf %get3A_32, %get3A_34 : vector<128xf32>
    %broadcast_in_dim3A_36 = vector.shape_cast %add3A_35 : vector<128xf32> to vector<1x128xf32>
    %add3A_37 = vector.broadcast %broadcast_in_dim3A_36 : vector<1x128xf32> to vector<5000x128xf32>
    %add3A_38 = arith.addf %add3A_30, %add3A_37 : vector<5000x128xf32>
    %logistic3A = arith.negf %add3A_38 : vector<5000x128xf32>
    %logistic3A_39 = math.exp %logistic3A : vector<5000x128xf32>
    %logistic3A_40 = arith.constant 1.000000e+00 : f32
    %logistic3A_41 = vector.broadcast %logistic3A_40 : f32 to vector<5000x128xf32>
    %logistic3A_42 = arith.addf %logistic3A_41, %logistic3A_39 : vector<5000x128xf32>
    %logistic3A_43 = arith.divf %logistic3A_41, %logistic3A_42 : vector<5000x128xf32>
    %slice3A_44 = vector.extract_strided_slice %dot_general3A_23 {offsets = [0, 128], sizes = [5000, 128], strides = [1, 1]} : vector<5000x384xf32> to vector<5000x128xf32>
    %slice3A_45 = vector.extract_strided_slice %dot_general3A_28 {offsets = [0, 128], sizes = [5000, 128], strides = [1, 1]} : vector<5000x256xf32> to vector<5000x128xf32>
    %add3A_46 = arith.addf %slice3A_44, %slice3A_45 : vector<5000x128xf32>
    %get3A_47 = arith.constant 0 : index
    %get3A_48 = vector.load %arg11[%get3A_47] : memref<128xf32, #tpu.memory_space<vmem>>, vector<128xf32>
    %get3A_49 = arith.constant 0 : index
    %get3A_50 = vector.load %arg13[%get3A_49] : memref<128xf32, #tpu.memory_space<vmem>>, vector<128xf32>
    %add3A_51 = arith.addf %get3A_48, %get3A_50 : vector<128xf32>
    %broadcast_in_dim3A_52 = vector.shape_cast %add3A_51 : vector<128xf32> to vector<1x128xf32>
    %add3A_53 = vector.broadcast %broadcast_in_dim3A_52 : vector<1x128xf32> to vector<5000x128xf32>
    %add3A_54 = arith.addf %add3A_46, %add3A_53 : vector<5000x128xf32>
    %logistic3A_55 = arith.negf %add3A_54 : vector<5000x128xf32>
    %logistic3A_56 = math.exp %logistic3A_55 : vector<5000x128xf32>
    %logistic3A_57 = arith.constant 1.000000e+00 : f32
    %logistic3A_58 = vector.broadcast %logistic3A_57 : f32 to vector<5000x128xf32>
    %logistic3A_59 = arith.addf %logistic3A_58, %logistic3A_56 : vector<5000x128xf32>
    %logistic3A_60 = arith.divf %logistic3A_58, %logistic3A_59 : vector<5000x128xf32>
    %slice3A_61 = vector.extract_strided_slice %dot_general3A_23 {offsets = [0, 256], sizes = [5000, 128], strides = [1, 1]} : vector<5000x384xf32> to vector<5000x128xf32>
    %mul3A = arith.mulf %logistic3A_60, %get3A_6 : vector<5000x128xf32>
    %get3A_62 = arith.constant 0 : index
    %get3A_63 = arith.constant 0 : index
    %get3A_64 = vector.load %arg16[%get3A_62, %get3A_63] : memref<128x128xf32, #tpu.memory_space<vmem>>, vector<128x128xf32>
    %dot_general3A_65 = arith.constant dense<0.000000e+00> : vector<5000x128xf32>
    %dot_general3A_66 = tpu.matmul %mul3A, %get3A_64, %dot_general3A_65 {dimension_numbers = #tpu.dot_dimension_numbers<[1], [0], [0], [1], [0, 0, 1, 1], [], []>, transpose_lhs_hint = false} : vector<5000x128xf32>, vector<128x128xf32>, vector<5000x128xf32> -> vector<5000x128xf32>
    %add3A_67 = arith.addf %slice3A_61, %dot_general3A_66 : vector<5000x128xf32>
    %get3A_68 = arith.constant 0 : index
    %get3A_69 = vector.load %arg15[%get3A_68] : memref<128xf32, #tpu.memory_space<vmem>>, vector<128xf32>
    %get3A_70 = arith.constant 0 : index
    %get3A_71 = vector.load %arg17[%get3A_70] : memref<128xf32, #tpu.memory_space<vmem>>, vector<128xf32>
    %add3A_72 = arith.addf %get3A_69, %get3A_71 : vector<128xf32>
    %broadcast_in_dim3A_73 = vector.shape_cast %add3A_72 : vector<128xf32> to vector<1x128xf32>
    %add3A_74 = vector.broadcast %broadcast_in_dim3A_73 : vector<1x128xf32> to vector<5000x128xf32>
    %add3A_75 = arith.addf %add3A_67, %add3A_74 : vector<5000x128xf32>
    %tanh3A = math.tanh %add3A_75 : vector<5000x128xf32>
    %mul3A_76 = arith.mulf %logistic3A_43, %get3A_6 : vector<5000x128xf32>
    %sub3A = arith.constant 1.000000e+00 : f32
    %sub3A_77 = vector.broadcast %sub3A : f32 to vector<5000x128xf32>
    %sub3A_78 = arith.subf %sub3A_77, %logistic3A_43 : vector<5000x128xf32>
    %mul3A_79 = arith.mulf %sub3A_78, %tanh3A : vector<5000x128xf32>
    %add3A_80 = arith.addf %mul3A_76, %mul3A_79 : vector<5000x128xf32>
    %swap3A = arith.constant 0 : index
    %swap3A_81 = arith.constant 0 : index
    %swap3A_82 = vector.load %arg18[%swap3A, %swap3A_81] : memref<5000x128xf32, #tpu.memory_space<vmem>>, vector<5000x128xf32>
    tpu.vector_store %arg18[%swap3A, %swap3A_81], %add3A_80 {strides = array<i32>} : memref<5000x128xf32, #tpu.memory_space<vmem>>, vector<5000x128xf32>,
    return
  }
  func.func @transform_0(%arg0: i32) -> (i32, i32) {
    %c0_i32 = arith.constant 0 : i32
    %c0_i32_0 = arith.constant 0 : i32
    return %arg0, %c0_i32 : i32, i32
  }
  func.func @transform_1(%arg0: i32) -> (i32, i32) {
    %c0_i32 = arith.constant 0 : i32
    %c0_i32_0 = arith.constant 0 : i32
    return %arg0, %c0_i32 : i32, i32
  }
  func.func @transform_2(%arg0: i32) -> (i32, i32) {
    %c0_i32 = arith.constant 0 : i32
    %c0_i32_0 = arith.constant 0 : i32
    return %arg0, %c0_i32 : i32, i32
  }
  func.func @transform_3(%arg0: i32) -> (i32, i32) {
    %c0_i32 = arith.constant 0 : i32
    %c0_i32_0 = arith.constant 0 : i32
    %c0_i32_1 = arith.constant 0 : i32
    return %c0_i32, %c0_i32_0 : i32, i32
  }
  func.func @transform_4(%arg0: i32) -> i32 {
    %c0_i32 = arith.constant 0 : i32
    %c0_i32_0 = arith.constant 0 : i32
    return %c0_i32 : i32
  }
  func.func @transform_5(%arg0: i32) -> (i32, i32) {
    %c0_i32 = arith.constant 0 : i32
    %c0_i32_0 = arith.constant 0 : i32
    %c0_i32_1 = arith.constant 0 : i32
    return %c0_i32, %c0_i32_0 : i32, i32
  }
  func.func @transform_6(%arg0: i32) -> i32 {
    %c0_i32 = arith.constant 0 : i32
    %c0_i32_0 = arith.constant 0 : i32
    return %c0_i32 : i32
  }
  func.func @transform_7(%arg0: i32) -> (i32, i32) {
    %c0_i32 = arith.constant 0 : i32
    %c0_i32_0 = arith.constant 0 : i32
    %c0_i32_1 = arith.constant 0 : i32
    return %c0_i32, %c0_i32_0 : i32, i32
  }
  func.func @transform_8(%arg0: i32) -> i32 {
    %c0_i32 = arith.constant 0 : i32
    %c0_i32_0 = arith.constant 0 : i32
    return %c0_i32 : i32
  }
  func.func @transform_9(%arg0: i32) -> (i32, i32) {
    %c0_i32 = arith.constant 0 : i32
    %c0_i32_0 = arith.constant 0 : i32
    %c0_i32_1 = arith.constant 0 : i32
    return %c0_i32, %c0_i32_0 : i32, i32
  }
  func.func @transform_10(%arg0: i32) -> i32 {
    %c0_i32 = arith.constant 0 : i32
    %c0_i32_0 = arith.constant 0 : i32
    return %c0_i32 : i32
  }
  func.func @transform_11(%arg0: i32) -> (i32, i32) {
    %c0_i32 = arith.constant 0 : i32
    %c0_i32_0 = arith.constant 0 : i32
    %c0_i32_1 = arith.constant 0 : i32
    return %c0_i32, %c0_i32_0 : i32, i32
  }
  func.func @transform_12(%arg0: i32) -> i32 {
    %c0_i32 = arith.constant 0 : i32
    %c0_i32_0 = arith.constant 0 : i32
    return %c0_i32 : i32
  }
  func.func @transform_13(%arg0: i32) -> (i32, i32) {
    %c0_i32 = arith.constant 0 : i32
    %c0_i32_0 = arith.constant 0 : i32
    %c0_i32_1 = arith.constant 0 : i32
    return %c0_i32, %c0_i32_0 : i32, i32
  }
  func.func @transform_14(%arg0: i32) -> i32 {
    %c0_i32 = arith.constant 0 : i32
    %c0_i32_0 = arith.constant 0 : i32
    return %c0_i32 : i32
  }
  func.func @transform_15(%arg0: i32) -> (i32, i32) {
    %c0_i32 = arith.constant 0 : i32
    %c0_i32_0 = arith.constant 0 : i32
    %c0_i32_1 = arith.constant 0 : i32
    return %c0_i32, %c0_i32_0 : i32, i32
  }
  func.func @transform_16(%arg0: i32) -> i32 {
    %c0_i32 = arith.constant 0 : i32
    %c0_i32_0 = arith.constant 0 : i32
    return %c0_i32 : i32
  }
  func.func @transform_17(%arg0: i32) -> (i32, i32) {
    %c0_i32 = arith.constant 0 : i32
    %c0_i32_0 = arith.constant 0 : i32
    return %arg0, %c0_i32 : i32, i32
  }
}

</mosaic_0001>

<sc_bundles>
// kernel: kernel.5.cloned.1.call-start
scs
__scs_entry_jumppad:
0x0: {  	(pc) =	sbr.rel $0x88, $3  }
0x1: {  	(tag) =	ssettag $0x0;
	lr =	simm.s32 $0x1  }
0x2: {  	[smem:$0x3F8C] =	sst lr;
	_ =	strace $0xD0000000  }
0x3: {  	_ = 	snop  }
0x4: {  	_ = 	snop  }
0x5: {  	_ = 	snop  }
0x6: {  	_ = 	snop  }
0x7: {  	_ = 	snop  }
__scs_overlays_trampoline_lowered:
0x8: {  	[smem:$0x3F9B] =	sst s0  }
0x9: {  	[smem:$0x3F9C] =	sst s1  }
0xa: {  	[smem:$0x3F9D] =	sst s2  }
0xb: {  	[smem:$0x3F9E] =	sst s3  }
0xc: {  	[smem:$0x3F9F] =	sst s4  }
0xd: {  	[smem:$0x3FA0] =	sst s5  }
0xe: {  	[smem:$0x3FA1] =	sst s6  }
0xf: {  	[smem:$0x3FA2] =	sst s7  }
0x10: {  	[smem:$0x3FA3] =	sst s8  }
0x11: {  	[smem:$0x3FA4] =	sst s9;
	s0 =	simm.s32 @!p0 $0x0  }
0x12: {  	s1 =	sld [smem:$0x3F8A];
	s0 =	simm.s32 @p0 $0x1  }
0x13: {  	[smem:$0x3FA5] =	sst s0;
	s0 =	simm.s32 @!p1 $0x0  }
0x14: {  	s2 =	sld [smem:$0x3F89];
	s0 =	simm.s32 @p1 $0x1  }
0x15: {  	[smem:$0x3FA6] =	sst s0;
	s0 =	simm.s32 @!p2 $0x0  }
0x16: {  	s3 =	sld [smem:$0x3FDB];
	s0 =	simm.s32 @p2 $0x1  }
0x17: {  	s4 =	simm.s32 $0x1BF5;
	[smem:$0x3FA8] =	sst s0  }
0x18: {  	s0 =	sld [smem:$0x3F8B];
	_ =	swait.ge [sflag:s4], $0x0  }
0x19: {  	s7 =	sld [smem:$0x3F8C]  }
0x1a: {  	s8 =	sadd.s32 $0xFFFFE003, lr  }
0x1b: {  	s9 =	sadd.s32 $0xFFFFFEF7, lr;
	s5 =	simm.s32 $0xFFFFFFFF;
	p2 =	slt.u32 s8, $0xFFFFF086  }
0x1c: {  	p1 =	slt.u32 s9, $0xF7A;
	s5 =	simm.s32 @!p2 $0x0  }
0x1d: {  	s5 =	simm.s32 @p1 $0x1;
	p0 =	seq.s32 s7, s2  }
0x1e: {  	s7 =	smul.u32 @!p0 $0xF7A, s2;
	p2 =	seq.s32 @!p0 s5, $0x0  }
0x1f: {  	s9 =	smul.u32 $0xF7A, s1;
	s8 =	simm.s32 @!p0 $0x1BF5;
	p2 =	por !p2, p0  }
0x20: {  	[sflag:s8] =	ssyncset.s32 @!p0 $0xFFFFF086;
	s6 =	sadd.s32 @!p0 s3, s7;
	s7 =	simm.s32 @!p0 $0x108  }
0x21: {  	s3 =	sadd.s32 s3, s9;
	s6 =	sadd.s32 @!p0 $0x88, s6;
	s7 =	simm.s32 @p2 $0x1082  }
0x22: {  	[simem:s7], [sflag:s8] =	dma.local @!p0 [hbm:s6], $0xF7A  }
0x23: {  	s9 =	sor.u32 $0xD0000000, s2;
	s6 =	simm.s32 $0x108;
	_ =	swait.ge @!p0 [sflag:s8], $0x0  }
0x24: {  	s3 =	sadd.s32 $0x88, s3;
	s6 =	simm.s32 @!p1 $0x1082;
	[sflag:s4] =	ssyncset.s32 $0xFFFFF086  }
0x25: {  	[simem:s6], [sflag:s4] =	dma.local [hbm:s3], $0xF7A  }
0x26: {  	[smem:$0x3F8C] =	sst s1;
	(tag) =	ssettag s2;
	_ =	strace s9  }
0x27: {  	s1 =	sld [smem:$0x3F9C]  }
0x28: {  	s2 =	sld [smem:$0x3F9D]  }
0x29: {  	s4 =	sld [smem:$0x3F9F]  }
0x2a: {  	p0 =	seq.s32 s5, $0x0;
	s5 =	sld [smem:$0x3FA0]  }
0x2b: {  	s6 =	sld [smem:$0x3FA1]  }
0x2c: {  	s7 =	sld [smem:$0x3FA2]  }
0x2d: {  	s3 =	simm.s32 $0x108;
	s8 =	sld [smem:$0x3FA3]  }
0x2e: {  	s3 =	simm.s32 @!p0 $0x1082;
	s9 =	sld [smem:$0x3FA4]  }
0x2f: {  	lr =	sadd.s32 s0, s3;
	s0 =	sld [smem:$0x3F9B]  }
0x30: {  	s3 =	sld [smem:$0x3F9E]  }
0x31: {  	[smem:$0x3FA7] =	sst s10  }
0x32: {  	s10 =	sld [smem:$0x3FA5];
	_ =	sdelay $0x3  }
0x33: {  	p0 =	seq.s32 s10, $0x1;
	s10 =	sld [smem:$0x3FA7];
	_ =	sdelay $0x3  }
0x34: {  	[smem:$0x3FA7] =	sst s10  }
0x35: {  	s10 =	sld [smem:$0x3FA6];
	_ =	sdelay $0x3  }
0x36: {  	p1 =	seq.s32 s10, $0x1;
	s10 =	sld [smem:$0x3FA7];
	_ =	sdelay $0x3  }
0x37: {  	[smem:$0x3FA7] =	sst s10  }
0x38: {  	s10 =	sld [smem:$0x3FA8]  }
0x39: {  	_ = 	snop;
	(pc) =	sbr.ind lr, $3  }
0x3a: {  	_ = 	snop  }
0x3b: {  	_ = 	snop  }
0x3c: {  	p2 =	seq.s32 s10, $0x1;
	s10 =	sld [smem:$0x3FA7]  }
0x3d: {  	_ =	shalt  }
0x3e: {  	_ =	shalt  }
0x3f: {  	_ =	shalt  }
0x40: {  	_ =	shalt  }
0x41: {  	_ =	shalt  }
0x42: {  	_ =	shalt  }
0x43: {  	_ =	shalt  }
0x44: {  	_ =	shalt  }
0x45: {  	_ =	shalt  }
0x46: {  	_ =	shalt  }
0x47: {  	_ =	shalt  }
0x48: {  	_ =	shalt  }
0x49: {  	_ =	shalt  }
0x4a: {  	_ =	shalt  }
0x4b: {  	_ =	shalt  }
0x4c: {  	_ =	shalt  }
0x4d: {  	_ =	shalt  }
0x4e: {  	_ =	shalt  }
0x4f: {  	_ =	shalt  }
0x50: {  	_ =	shalt  }
0x51: {  	_ =	shalt  }
0x52: {  	_ =	shalt  }
0x53: {  	_ =	shalt  }
0x54: {  	_ =	shalt  }
0x55: {  	_ =	shalt  }
0x56: {  	_ =	shalt  }
0x57: {  	_ =	shalt  }
0x58: {  	_ =	shalt  }
0x59: {  	_ =	shalt  }
0x5a: {  	_ =	shalt  }
0x5b: {  	_ =	shalt  }
0x5c: {  	_ =	shalt  }
0x5d: {  	_ =	shalt  }
0x5e: {  	_ =	shalt  }
0x5f: {  	_ =	shalt  }
0x60: {  	_ =	shalt  }
0x61: {  	_ =	shalt  }
0x62: {  	_ =	shalt  }
0x63: {  	_ =	shalt  }
0x64: {  	_ =	shalt  }
0x65: {  	_ =	shalt  }
0x66: {  	_ =	shalt  }
0x67: {  	_ =	shalt  }
0x68: {  	_ =	shalt  }
0x69: {  	_ =	shalt  }
0x6a: {  	_ =	shalt  }
0x6b: {  	_ =	shalt  }
0x6c: {  	_ =	shalt  }
0x6d: {  	_ =	shalt  }
0x6e: {  	_ =	shalt  }
0x6f: {  	_ =	shalt  }
0x70: {  	_ =	shalt  }
0x71: {  	_ =	shalt  }
0x72: {  	_ =	shalt  }
0x73: {  	_ =	shalt  }
0x74: {  	_ =	shalt  }
0x75: {  	_ =	shalt  }
0x76: {  	_ =	shalt  }
0x77: {  	_ =	shalt  }
0x78: {  	_ =	shalt  }
0x79: {  	_ =	shalt  }
0x7a: {  	_ =	shalt  }
0x7b: {  	_ =	shalt  }
0x7c: {  	_ =	shalt  }
0x7d: {  	_ =	shalt  }
0x7e: {  	_ =	shalt  }
0x7f: {  	_ =	shalt  }
0x80: {  	_ =	shalt  }
0x81: {  	_ =	shalt  }
0x82: {  	_ =	shalt  }
0x83: {  	_ =	shalt  }
0x84: {  	_ =	shalt  }
0x85: {  	_ =	shalt  }
0x86: {  	_ =	shalt  }
0x87: {  	_ =	shalt  }
.Lfunc_end0:
.L_simem_size_0:
called_computation_lowered:
.L_overlay_start_0:
0x88: {  	s2 =	sld [smem:$0x3FD9]  }
0x89: {  	s3 =	sld [smem:$0x3FFE];
	_ =	sdelay $0x1  }
0x8a: {  	s1 =	srdreg.scid  }
0x8b: {  	s0 =	sand.u32 $0x1, s1  }
0x8c: {  	s14 =	sshll.u32 s0, $0xA;
	s2 =	sadd.s32 s3, s2  }
0x8d: {  	s2 =	sadd.s32 s2, s14  }
0x8e: {  	[smem:$0x3FB3] =	sst s2  }
0x8f: {  	_ = 	snop  }
0x90: {  	s2 =	sld [smem:$0x3FD0];
	_ =	sdelay $0x1  }
0x91: {  	s15 =	sld [smem:$0x3FC9]  }
0x92: {  	s5 =	simm.s32 $0xA;
	s6 =	simm.s32 $0x10;
	s4 =	sld [smem:$0x3FC6]  }
0x93: {  	[smem:s6], [sflag:s5] =	dma.local [hbm:s2], $0x1  }
0x94: {  	_ =	swait.eq [sflag:s5], $0x1  }
0x95: {  	[sflag:s5] =	ssyncset.done $0x0  }
0x96: {  	[sflag:s5] =	ssyncadd.s32 $0xFFFFFFFF  }
0x97: {  	s16 =	sld [smem:$0x10];
	(tm) =	ssettm $0x1  }
0x98: {  	s17 =	sld [smem:$0x3FFB];
	_ =	sdelay $0x3  }
0x99: {  	_ =	strace s17  }
0x9a: {  	s5 =	sld [smem:$0x3FFC];
	_ =	sdelay $0x3  }
0x9b: {  	_ =	strace s5  }
0x9c: {  	s5 =	sld [smem:$0x3FFD];
	_ =	sdelay $0x3  }
0x9d: {  	_ =	strace s5  }
0x9e: {  	_ =	strace $0x8FFFFFFF  }
0x9f: {  	s18 =	sld [smem:$0x3FDB];
	_ =	sdelay $0x1  }
0xa0: {  	s19 =	simm.s32 $_scs_section_size  }
0xa1: {  	s7 =	simm.s32 $_size__tile_overlayer_lowered;
	s8 =	simm.s32 $_tile_overlayer_lowered  }
0xa2: {  	s22 =	simm.s32 $0x1BFF;
	s21 =	sshll.u32 s8, $0x1;
	s5 =	sadd.s32 s19, s18  }
0xa3: {  	s9 =	simm.s32 $0x0;
	s20 =	sshll.u32 s7, $0x1;
	s7 =	sadd.s32 s21, s5  }
0xa4: {  	[timem:s9], [sflag:s22] =	dma.local [hbm:s7], s20  }
0xa5: {  	_ =	swait.ge [sflag:s22], s20  }
0xa6: {  	s6 =	ssub.s32 $0x0, s20;
	[sflag:s22] =	ssyncset.done $0x0  }
0xa7: {  	[sflag:s22] =	ssyncadd.s32 s6;
	_ =	sdelay $0x1  }
0xa8: {  	s23 =	simm.s32 $0x1B8B  }
0xa9: {  	_ =	swait.ge [sflag:s23], $0x1  }
0xaa: {  	[sflag:s23] =	ssyncset.done $0x0  }
0xab: {  	s25 =	simm.s32 $0x1B8E;
	s24 =	sld [smem:$0x3FFE];
	[sflag:s23] =	ssyncadd.s32 $0xFFFFFFFF  }
0xac: {  	s26 =	simm.s32 $execute0_lowered;
	[smem:$0x3FD2] =	sst s25  }
0xad: {  	s7 =	sshll.u32 s26, $0x1;
	_ =	strace $0x80000046;
	[dreg:$0x1] =	wrdreg $0xFFFFFFFF  }
0xae: {  	s28 =	simm.s32 $_size_execute0_lowered;
	s5 =	sadd.s32 s5, s7;
	[dreg:$0x0] =	wrdreg $0x0  }
0xaf: {  	s7 =	sshll.u32 s28, $0x1;
	[dreg:$0x2] =	wrdreg s5  }
0xb0: {  	[dreg:$0x3] =	wrdreg s7  }
0xb1: {  	[dreg:$0x4] =	wrdreg $0xC0  }
0xb2: {  	_ =	task [dreg:s9], $0x5FFFF  }
0xb3: {  	[dreg:$0x1] =	wrdreg $0xFFFFFFFF  }
0xb4: {  	[dreg:$0x0] =	wrdreg $0x60  }
0xb5: {  	[dreg:$0x2] =	wrdreg s15  }
0xb6: {  	[dreg:$0x3] =	wrdreg s4  }
0xb7: {  	[dreg:$0x4] =	wrdreg s16  }
0xb8: {  	[dreg:$0x5] =	wrdreg s24  }
0xb9: {  	[dreg:$0x6] =	wrdreg $0x9A000  }
0xba: {  	[dreg:$0x7] =	wrdreg $0x9C000  }
0xbb: {  	[dreg:$0x8] =	wrdreg $0x9  }
0xbc: {  	_ =	task.clear_ibuf [dreg:s9], $0x9FFFF;
	_ =	strace $0x90000046  }
0xbd: {  	s29 =	simm.s32 $0x9;
	_ =	strace $0x80000048  }
0xbe: {  	_ =	swait.ge [sflag:s29], $0x1  }
0xbf: {  	[sflag:s29] =	ssyncadd.s32 $0xFFFFFFFF  }
0xc0: {  	_ =	strace $0x90000048  }
0xc1: {  	_ =	sfence  }
0xc2: {  	s30 =	sld [smem:$0x0];
	_ =	sdelay $0x2  }
0xc3: {  	s31 =	sshll.u32 s1, $0xD;
	s1 =	sshrl.u32 s1, $0x2  }
0xc4: {  	s3 =	sand.u32 $0x4000, s31;
	s1 =	sadd.s32 s1, s30  }
0xc5: {  	s0 =	sor.u32 s3, s0;
	s1 =	sshll.u32 s1, $0x11  }
0xc6: {  	s0 =	sor.u32 s1, s0  }
0xc7: {  	s0 =	sadd.s32 $0x8F2B, s0  }
0xc8: {  	[sflag:s0] =	ssyncadd.remote.s32 $0x1  }
0xc9: {  	_ =	sfence.sel $0xFFFF  }
0xca: {  	[dreg:$0x0] =	wrdreg $0xFFFFFFFF;
	(pc) =	sbr.abs _section_cstart, $3  }
0xcb: {  	[dreg:$0x1] =	wrdreg $0xFFFFFFFF  }
0xcc: {  	_ =	task.clear_ibuf [dreg:s9], $0x2FFFF;
	_ =	strace $0x9FFFFFFF  }
0xcd: {  	(tm) =	ssettm $0x7FFFFFFF  }
tec
execute0_lowered:
.L_overlay_start_1:
0x0: {  	(tag) =	ssettag $0x1  }
0x1: {  	s10 =	rddreg [dreg:$0x0]  }
0x2: {  	s11 =	rddreg [dreg:$0x1]  }
0x3: {  	s12 =	rddreg [dreg:$0x2]  }
0x4: {  	s4 =	rddreg [dreg:$0x3]  }
0x5: {  	s0 =	srdreg.scid;
	s1 =	rddreg [dreg:$0x4]  }
0x6: {  	s15 =	stileid.u32;
	s2 =	rddreg [dreg:$0x5]  }
0x7: {  	s3 =	simm.s32 $0x0;
	s22 =	simm.s32 $0x5080;
	s5 =	sand.u32 $0x1, s0  }
0x8: {  	s23 =	simm.s32 $0x2;
	s24 =	simm.s32 $0x3;
	s0 =	sshll.u32 s5, $0x4  }
0x9: {  	s25 =	simm.s32 $0x5;
	s26 =	simm.s32 $0x5100;
	s18 =	sor.u32 s15, s0  }
0xa: {  	s28 =	simm.s32 $0x0;
	[smem:$0x7FF] =	sst s3;
	s6 =	smul.u32 $0x500, s18  }
0xb: {  	p0 =	sne.s32 s15, $0x0;
	s7 =	smul.u32 $0xA, s18;
	s8 =	sor.u32 $0x20, s18  }
0xc: {  	_ =	strace $0x80000047;
	s14 =	sshll.u32 s5, $0xA;
	s9 =	smul.u32 $0x500, s8  }
0xd: {  	s5 =	ssub.s32 $0x2, s5;
	s13 =	sor.u32 $0x40, s18;
	s8 =	smul.u32 $0xA, s8  }
0xe: {  	s17 =	sshrl.u32 s5, $0x1;
	s20 =	sadd.s32 s14, s4;
	s16 =	smul.u32 $0x500, s13  }
0xf: {  	s12 =	sadd.s32 s12, s14;
	s19 =	sor.u32 $0x60, s18;
	s13 =	smul.u32 $0xA, s13  }
0x10: {  	s15 =	simm.s32 $0x5000;
	s17 =	ssub.s32 s5, s17;
	s21 =	smul.u32 $0x500, s19  }
0x11: {  	p1 =	sgt.u32 s18, $0x1C;
	s18 =	simm.s32 $0x1;
	s19 =	smul.u32 $0xA, s19  }
.Ltmp0:
0x12: {  	s14 =	smax.u32 s17, $0x1;
	s17 =	simm.s32 $0x7;
	(pc) =	sbr.rel .LBB2_1-.Ltmp0, $4  }
0x13: {  	s4 =	sadd.s32 s10, s6;
	s5 =	sadd.s32 s11, s7;
	s6 =	sadd.s32 s10, s9  }
0x14: {  	s7 =	sadd.s32 s11, s8;
	s8 =	sadd.s32 s10, s16;
	s9 =	sadd.s32 s11, s13  }
0x15: {  	s10 =	sadd.s32 s10, s21;
	s11 =	sadd.s32 s11, s19;
	s13 =	sadd.s32 $0x3400, s20  }
0x16: {  	v0 =	vimm.f32 $1.000000000e+00;
	v1 =	vimm.f32 $0.0e+00;
	s19 =	simm.s32 $0x50;
	s20 =	simm.s32 $0x5200;
	s21 =	simm.s32 $0x2800  }
.LBB2_6:
0x17: {  	[tilespmem:s29+$0x7A70] =	vst v1  }
0x18: {  	[tilespmem:s29+$0x7A00] =	vst v1  }
0x19: {  	[tilespmem:s29+$0x7A10] =	vst v1  }
0x1a: {  	[tilespmem:s29+$0x7A20] =	vst v1  }
0x1b: {  	[tilespmem:s29+$0x7A30] =	vst v1  }
0x1c: {  	[tilespmem:s29+$0x7A40] =	vst v1  }
0x1d: {  	[tilespmem:s29+$0x7A50] =	vst v1  }
0x1e: {  	[tilespmem:s29+$0x7A60] =	vst v1;
	s0 =	simm.s32 $0x7A00  }
0x1f: {  	[spmem:s1] =	stream.linear.scatter [tilespmem:s0], [sflag:$0x7], $0x2000, $0x38;
	[tilespmem:$0x9E00] =	vst v63  }
0x20: {  	_ =	swait.ge [sflag:s17], $0x2000  }
0x21: {  	[sflag:s17] =	ssyncset.done $0x0  }
0x22: {  	[sflag:s17] =	ssyncadd.s32 $0xFFFFE000  }
0x23: {  	[spmem:s2] =	stream.linear.scatter [tilespmem:s0], [sflag:$0x7], $0x2000, $0x38;
	[tilespmem:$0x9E00] =	vst v63  }
0x24: {  	_ =	swait.ge [sflag:s17], $0x2000  }
0x25: {  	[sflag:s17] =	ssyncset.done $0x0  }
0x26: {  	[sflag:s17] =	ssyncadd.s32 $0xFFFFE000  }
.LBB2_7:
0x27: {  	[bflag:$0x0] =	sbarrier.arrive $0xFFFF  }
0x28: {  	_ =	swait.ge [sflag:s18], $0x2800  }
0x29: {  	[sflag:s18] =	ssyncset.done $0x0  }
0x2a: {  	[sflag:s18] =	ssyncadd.s32 $0xFFFFD800  }
0x2b: {  	_ =	swait.ge [sflag:s18], $0x50  }
0x2c: {  	[sflag:s18] =	ssyncset.done $0x0  }
0x2d: {  	[sflag:s18] =	ssyncadd.s32 $0xFFFFFFB0  }
0x2e: {  	[spmem:s1] =	stream.indirect.scatter.add.f32 [tilespmem:s3], [sflag:$0x3], $0x80, s15, s19, $0xb8;
	[tilespmem:$0x9E00] =	vst v63  }
0x2f: {  	_ = 	snop  }
0x30: {  	[spmem:s2] =	stream.indirect.scatter.add.f32 [tilespmem:s20], [sflag:$0x5], $0x80, s15, s19, $0xb8;
	[tilespmem:$0x9E00] =	vst v63  }
0x31: {  	_ = 	snop  }
0x32: {  	[tilespmem:s21], [sflag:$0x2] =	stream.linear.gather [hbm4b:s6+s3], $0x2800, $0x38;
	[tilespmem:$0x9E00] =	vst v63  }
0x33: {  	_ = 	snop  }
0x34: {  	[tilespmem:s22], [sflag:$0x2] =	stream.linear.gather [hbm4b:s7+s3], $0x50, $0x38;
	[tilespmem:$0x9E00] =	vst v63  }
0x35: {  	_ =	swait.ge [sflag:s23], $0x2800  }
0x36: {  	[sflag:s23] =	ssyncset.done $0x0  }
0x37: {  	[sflag:s23] =	ssyncadd.s32 $0xFFFFD800  }
0x38: {  	_ =	swait.ge [sflag:s23], $0x50  }
0x39: {  	[sflag:s23] =	ssyncset.done $0x0  }
0x3a: {  	[sflag:s23] =	ssyncadd.s32 $0xFFFFFFB0  }
0x3b: {  	[spmem:s1] =	stream.indirect.scatter.add.f32 [tilespmem:s21], [sflag:$0x4], $0x80, s22, s19, $0xb8;
	[tilespmem:$0x9E00] =	vst v63  }
0x3c: {  	_ = 	snop  }
0x3d: {  	[spmem:s2] =	stream.indirect.scatter.add.f32 [tilespmem:s20], [sflag:$0x6], $0x80, s22, s19, $0xb8;
	[tilespmem:$0x9E00] =	vst v63  }
0x3e: {  	_ =	swait.ge [sflag:s24], $0x2800  }
0x3f: {  	[sflag:s24] =	ssyncset.done $0x0  }
0x40: {  	[sflag:s24] =	ssyncadd.s32 $0xFFFFD800  }
0x41: {  	_ =	swait.ge [sflag:s25], $0x2800  }
0x42: {  	[sflag:s25] =	ssyncset.done $0x0  }
0x43: {  	[sflag:s25] =	ssyncadd.s32 $0xFFFFD800  }
0x44: {  	[tilespmem:s3], [sflag:$0x1] =	stream.linear.gather [hbm4b:s8+s3], $0x2800, $0x38;
	[tilespmem:$0x9E00] =	vst v63  }
0x45: {  	_ = 	snop  }
0x46: {  	[tilespmem:s26], [sflag:$0x1] =	stream.linear.gather [hbm4b:s9+s3], $0x50, $0x38;
	[tilespmem:$0x9E00] =	vst v63  }
0x47: {  	_ =	swait.ge [sflag:s18], $0x2800  }
0x48: {  	[sflag:s18] =	ssyncset.done $0x0  }
0x49: {  	[sflag:s18] =	ssyncadd.s32 $0xFFFFD800  }
0x4a: {  	_ =	swait.ge [sflag:s18], $0x50  }
0x4b: {  	[sflag:s18] =	ssyncset.done $0x0  }
0x4c: {  	[sflag:s18] =	ssyncadd.s32 $0xFFFFFFB0  }
0x4d: {  	[spmem:s1] =	stream.indirect.scatter.add.f32 [tilespmem:s3], [sflag:$0x3], $0x80, s26, s19, $0xb8;
	[tilespmem:$0x9E00] =	vst v63  }
0x4e: {  	s29 =	simm.s32 @!p1 $0x4  }
0x4f: {  	[spmem:s2] =	stream.indirect.scatter.add.f32 [tilespmem:s20], [sflag:$0x5], $0x80, s26, s19, $0xb8;
	[tilespmem:$0x9E00] =	vst v63  }
0x50: {  	_ =	swait.ge @!p1 [sflag:s29], $0x2800  }
0x51: {  	[sflag:s29] =	ssyncset.done @!p1 $0x0  }
0x52: {  	s30 =	simm.s32 @!p1 $0x6;
	[sflag:s29] =	ssyncadd.s32 @!p1 $0xFFFFD800  }
0x53: {  	_ =	swait.ge @!p1 [sflag:s30], $0x2800  }
0x54: {  	[sflag:s30] =	ssyncset.done @!p1 $0x0  }
0x55: {  	s31 =	simm.s32 @!p1 $0x0;
	s0 =	simm.s32 @!p1 $0x2800;
	[sflag:s30] =	ssyncadd.s32 @!p1 $0xFFFFD800  }
0x56: {  	[tilespmem:s0], [sflag:$0x2] =	stream.linear.gather @!p1 [hbm4b:s10+s31], $0x2800, $0x38;
	[tilespmem:$0x9E00] =	vst v63  }
0x57: {  	s16 =	simm.s32 @!p1 $0x5180  }
0x58: {  	[tilespmem:s16], [sflag:$0x2] =	stream.linear.gather @!p1 [hbm4b:s11+s31], $0x50, $0x38;
	[tilespmem:$0x9E00] =	vst v63  }
0x59: {  	s31 =	simm.s32 @!p1 $0x2  }
0x5a: {  	_ =	swait.ge @!p1 [sflag:s31], $0x2800  }
0x5b: {  	[sflag:s31] =	ssyncset.done @!p1 $0x0  }
0x5c: {  	[sflag:s31] =	ssyncadd.s32 @!p1 $0xFFFFD800  }
0x5d: {  	_ =	swait.ge @!p1 [sflag:s31], $0x50  }
0x5e: {  	[sflag:s31] =	ssyncset.done @!p1 $0x0  }
0x5f: {  	[sflag:s31] =	ssyncadd.s32 @!p1 $0xFFFFFFB0;
	s31 =	simm.s32 @!p1 $0x50  }
0x60: {  	[spmem:s1] =	stream.indirect.scatter.add.f32 @!p1 [tilespmem:s0], [sflag:$0x4], $0x80, s16, s31, $0xb8;
	[tilespmem:$0x9E00] =	vst v63  }
0x61: {  	s0 =	simm.s32 @!p1 $0x5200  }
0x62: {  	[spmem:s2] =	stream.indirect.scatter.add.f32 @!p1 [tilespmem:s0], [sflag:$0x6], $0x80, s16, s31, $0xb8;
	[tilespmem:$0x9E00] =	vst v63  }
0x63: {  	s0 =	simm.s32 @!p1 $0x3  }
0x64: {  	_ =	swait.ge @!p1 [sflag:s0], $0x2800  }
0x65: {  	[sflag:s0] =	ssyncset.done @!p1 $0x0  }
0x66: {  	[sflag:s0] =	ssyncadd.s32 @!p1 $0xFFFFD800;
	s0 =	simm.s32 @!p1 $0x5  }
0x67: {  	_ =	swait.ge @!p1 [sflag:s0], $0x2800  }
0x68: {  	[sflag:s0] =	ssyncset.done @!p1 $0x0  }
0x69: {  	s29 =	simm.s32 @p1 $0x3;
	[sflag:s0] =	ssyncadd.s32 @!p1 $0xFFFFD800  }
0x6a: {  	_ =	swait.ge [sflag:s29], $0x2800  }
0x6b: {  	[sflag:s29] =	ssyncset.done $0x0  }
0x6c: {  	s30 =	simm.s32 @p1 $0x5;
	[sflag:s29] =	ssyncadd.s32 $0xFFFFD800  }
0x6d: {  	_ =	swait.ge [sflag:s30], $0x2800  }
0x6e: {  	[sflag:s30] =	ssyncset.done $0x0  }
0x6f: {  	[sflag:s30] =	ssyncadd.s32 $0xFFFFD800  }
0x70: {  	s16 =	simm.s32 @!p0 $0x1C07;
	s0 =	sshrl.u32 @!p0 s1, $0x3;
	[bflag:$0x0] =	sbarrier.arrive $0xFFFF  }
0x71: {  	[hbm:s12], [sflag:s16] =	dma.local @!p0 [spmem:s0], $0x400  }
0x72: {  	s0 =	simm.s32 @!p0 $0x7  }
0x73: {  	s28 =	sadd.s32 $0x1, s28;
	_ =	swait.ge @!p0 [sflag:s0], $0x400  }
0x74: {  	p2 =	sne.s32 s28, s14;
	[sflag:s0] =	ssyncset.done @!p0 $0x0  }
.Ltmp1:
0x75: {  	s29 =	sshrl.u32 @!p0 s2, $0x3;
	[sflag:s0] =	ssyncadd.s32 @!p0 $0xFFFFFC00;
	(pc) =	sbr.rel @!p2 .LBB2_8-.Ltmp1, $4  }
0x76: {  	[hbm:s13], [sflag:s16] =	dma.local @!p0 [spmem:s29], $0x400  }
0x77: {  	_ =	swait.ge @!p0 [sflag:s0], $0x400  }
0x78: {  	[sflag:s0] =	ssyncset.done @!p0 $0x0  }
0x79: {  	[sflag:s0] =	ssyncadd.s32 @!p0 $0xFFFFFC00  }
.LBB2_1:
0x7a: {  	s29 =	simm.s32 $0x0;
	s30 =	simm.s32 $0x200  }
.LBB2_2:
0x7b: {  	p2 =	sne.s32 s30, $0x9E00;
	[tilespmem:s29+$0x5270] =	vst v0  }
0x7c: {  	[tilespmem:s29+$0x5200] =	vst v0  }
0x7d: {  	[tilespmem:s29+$0x5210] =	vst v0  }
.Ltmp2:
0x7e: {  	[tilespmem:s29+$0x5220] =	vst v0;
	(pc) =	sbr.rel @p2 .LBB2_2-.Ltmp2, $4  }
0x7f: {  	[tilespmem:s29+$0x5230] =	vst v0  }
0x80: {  	[tilespmem:s29+$0x5240] =	vst v0  }
0x81: {  	[tilespmem:s29+$0x5250] =	vst v0  }
0x82: {  	[tilespmem:s29+$0x5260] =	vst v0;
	s29 =	sshra.s32 s30, $0x2;
	s30 =	sadd.s32 $0x200, s30  }
0x83: {  	[tilespmem:s29+$0x5270] =	vst v0  }
0x84: {  	[tilespmem:s29+$0x5200] =	vst v0  }
0x85: {  	[tilespmem:s29+$0x5210] =	vst v0  }
0x86: {  	[tilespmem:s29+$0x5220] =	vst v0  }
0x87: {  	[tilespmem:s29+$0x5230] =	vst v0  }
0x88: {  	[tilespmem:s29+$0x5240] =	vst v0  }
.Ltmp3:
0x89: {  	[tilespmem:s29+$0x5250] =	vst v0;
	(pc) =	sbr.rel @p0 .LBB2_7-.Ltmp3, $4  }
0x8a: {  	[tilespmem:s29+$0x5260] =	vst v0;
	s30 =	simm.s32 $0x0  }
0x8b: {  	[tilespmem:s30], [sflag:$0x1] =	stream.linear.gather [hbm4b:s4+s30], $0x2800, $0x38;
	[tilespmem:$0x9E00] =	vst v63  }
0x8c: {  	_ = 	snop  }
0x8d: {  	[tilespmem:s15], [sflag:$0x1] =	stream.linear.gather [hbm4b:s5+s30], $0x50, $0x38;
	[tilespmem:$0x9E00] =	vst v63  }
0x8e: {  	s29 =	sshra.s32 s30, $0x2;
	s30 =	sadd.s32 $0x200, s30  }
.LBB2_5:
0x8f: {  	p2 =	sne.s32 s30, $0x7E00;
	[tilespmem:s29+$0x7A70] =	vst v1  }
0x90: {  	[tilespmem:s29+$0x7A00] =	vst v1  }
0x91: {  	[tilespmem:s29+$0x7A10] =	vst v1  }
.Ltmp4:
0x92: {  	[tilespmem:s29+$0x7A20] =	vst v1;
	(pc) =	sbr.rel @p2 .LBB2_5-.Ltmp4, $4  }
0x93: {  	[tilespmem:s29+$0x7A30] =	vst v1  }
0x94: {  	[tilespmem:s29+$0x7A40] =	vst v1  }
0x95: {  	[tilespmem:s29+$0x7A50] =	vst v1  }
0x96: {  	[tilespmem:s29+$0x7A60] =	vst v1;
	s29 =	sshra.s32 s30, $0x2;
	s30 =	sadd.s32 $0x200, s30  }
.Ltmp5:
0x97: {  	_ = 	snop;
	(pc) =	sbr.rel .LBB2_6-.Ltmp5, $1  }
0x98: {  	_ =	sdelay $0x3  }
.LBB2_8:
0x99: {  	_ =	sfence.sel $0x180000  }
0x9a: {  	[bflag:$0x0] =	sbarrier.arrive $0xFFFF  }
0x9b: {  	_ =	strace $0x90000047  }
0x9c: {  	[bflag:$0x2] =	sbarrier.arrive $0xFFFF  }
0x9d: {  	s0 =	rddreg [dreg:$0x6]  }
0x9e: {  	s0 =	sadd.s32 @!p0 $0x100000, s0  }
0x9f: {  	[sflag:s0] =	ssyncadd.tile.s32 @!p0 $0x1;
	_ =	shalt  }
.Lfunc_end2:
_tile_overlayer_lowered:
.L_overlay_start_2:
0xa0: {  	(tag) =	ssettag $0x2  }
0xa1: {  	s0 =	rddreg [dreg:$0x0];
	s2 =	stileid.u32  }
0xa2: {  	s1 =	rddreg [dreg:$0x1];
	p0 =	sne.s32 s2, $0x0  }
0xa3: {  	s3 =	rddreg [dreg:$0x2];
	[bflag:$0x3] =	sbarrier.arrive $0xFFFF;
	s2 =	simm.s32 @!p0 $0x1C07  }
0xa4: {  	[timem:s3], [sflag:s2] =	dma.local @!p0 [hbm:s0], s1  }
0xa5: {  	s0 =	simm.s32 @!p0 $0x7  }
0xa6: {  	_ =	swait.ge @!p0 [sflag:s0], s1  }
0xa7: {  	s1 =	ssub.s32 @!p0 $0x0, s1;
	[sflag:s0] =	ssyncset.done @!p0 $0x0  }
0xa8: {  	[sflag:s0] =	ssyncadd.s32 @!p0 s1  }
0xa9: {  	[bflag:$0x3] =	sbarrier.arrive $0xFFFF  }
0xaa: {  	_ =	shalt  }

</sc_bundles>
